<compile_context>
chip_gen: v7x
topology: tpu7x:2x2x1
jax: 0.10.2.dev20260603
libtpu: 0.0.44.dev20260713+nightly
codegen_flags: <defaults>
</compile_context>

<pallas_src>
import functools

import jax
import jax.numpy as jnp
from jax import lax
from jax.experimental import pallas as pl
from jax.experimental.pallas import tpu as pltpu
from jax.experimental.pallas import tpu_sc as plsc

E = 8
D = 768
DA = D + 128
T = 8192
BT = 256
NBLK = T // BT + E
TPAD = NBLK * BT
NBEXP = 48
TA = 1024
GA = T // TA
TB = 256
GB = T // TB
NC, NS = 2, 16
NW = NC * NS
TPW = T // NW
CH = 128
NCH = TPW // CH
CS = 64
NCS = TPW // CS


def _gate_body(x_ref, gw_ref, sm_ref, eid_ref, w_ref, cnt_ref):
    x = x_ref[...]
    logits = lax.dot_general(x, gw_ref[...], (((1,), (1,)), ((), ())),
                             preferred_element_type=jnp.float32)
    m = jnp.max(logits, axis=1, keepdims=True)
    ex = jnp.exp(logits - m)
    sm = ex / jnp.sum(ex, axis=1, keepdims=True)
    sm_ref[...] = sm
    mx = jnp.max(sm, axis=1, keepdims=True)
    w_ref[...] = mx
    lanes = lax.broadcasted_iota(jnp.int32, (TA, E), 1)
    eid = jnp.min(jnp.where(sm >= mx, lanes, E), axis=1, keepdims=True)
    eid_ref[...] = eid
    onehot = (lanes == eid).astype(jnp.float32)
    sub = jnp.sum(onehot.reshape(TA // TB, TB, E), axis=1)
    cnt_ref[...] = sub.reshape(TA // TB, 1, E).astype(jnp.int32)


def _tc_gate(x, gate_W):
    return pl.pallas_call(
        _gate_body,
        grid=(GA,),
        in_specs=[
            pl.BlockSpec((TA, D), lambda i: (i, 0)),
            pl.BlockSpec((E, D), lambda i: (0, 0)),
        ],
        out_specs=[
            pl.BlockSpec((TA, E), lambda i: (i, 0)),
            pl.BlockSpec((TA, 1), lambda i: (i, 0)),
            pl.BlockSpec((TA, 1), lambda i: (i, 0)),
            pl.BlockSpec((TA // TB, 1, E), lambda i: (i, 0, 0)),
        ],
        out_shape=[
            jax.ShapeDtypeStruct((T, E), jnp.float32),
            jax.ShapeDtypeStruct((T, 1), jnp.int32),
            jax.ShapeDtypeStruct((T, 1), jnp.float32),
            jax.ShapeDtypeStruct((GB, 1, E), jnp.int32),
        ],
    )(x, gate_W)


def _route_body(eid_ref, cnt_ref, pos_ref, bexp_ref):
    i = pl.program_id(0)
    cnt = cnt_ref[...].reshape(GB, E).astype(jnp.float32)
    rows = lax.broadcasted_iota(jnp.int32, (GB, E), 0)
    pre = jnp.sum(jnp.where(rows < i, cnt, 0.0), axis=0, keepdims=True)
    tot = jnp.sum(cnt, axis=0, keepdims=True)
    nb = jnp.floor((tot + (BT - 1)) / BT)
    nbBT = nb * BT
    er = lax.broadcasted_iota(jnp.int32, (E, E), 0)
    ec = lax.broadcasted_iota(jnp.int32, (E, E), 1)
    nb_col = jnp.broadcast_to(nbBT.reshape(E, 1), (E, E))
    start = jnp.sum(jnp.where(er < ec, nb_col, 0.0), axis=0, keepdims=True)
    base_e = start + pre

    eid = eid_ref[...]
    lanes = lax.broadcasted_iota(jnp.int32, (TB, E), 1)
    oh = (lanes == eid).astype(jnp.float32)
    mr = lax.broadcasted_iota(jnp.int32, (TB, TB), 0)
    mc = lax.broadcasted_iota(jnp.int32, (TB, TB), 1)
    tri = (mc <= mr).astype(jnp.float32)
    csum = lax.dot_general(tri, oh, (((1,), (0,)), ((), ())),
                           preferred_element_type=jnp.float32)
    rank = jnp.sum(oh * csum, axis=1, keepdims=True) - 1.0
    basemap = jnp.sum(oh * base_e, axis=1, keepdims=True)
    pos_ref[...] = (basemap + rank).astype(jnp.int32)

    bs = (start / BT).astype(jnp.int32)
    nbi = nb.astype(jnp.int32)
    ec1 = lax.broadcasted_iota(jnp.int32, (1, E), 1)
    jv = lax.broadcasted_iota(jnp.int32, (1, 1, NBEXP), 2)
    acc = jnp.zeros((1, 1, NBEXP), jnp.int32)
    for e in range(E):
        bs_e = jnp.sum(jnp.where(ec1 == e, bs, 0))
        nb_e = jnp.sum(jnp.where(ec1 == e, nbi, 0))
        inb = jnp.logical_and(jv >= bs_e, jv < bs_e + nb_e)
        acc = jnp.where(inb, e, acc)
    bexp_ref[...] = acc


def _tc_route(eid, cnt3):
    return pl.pallas_call(
        _route_body,
        grid=(GB,),
        in_specs=[
            pl.BlockSpec((TB, 1), lambda i: (i, 0)),
            pl.BlockSpec((GB, 1, E), lambda i: (0, 0, 0)),
        ],
        out_specs=[
            pl.BlockSpec((TB, 1), lambda i: (i, 0)),
            pl.BlockSpec((1, 1, NBEXP), lambda i: (0, 0, 0)),
        ],
        out_shape=[
            jax.ShapeDtypeStruct((T, 1), jnp.int32),
            jax.ShapeDtypeStruct((1, 1, NBEXP), jnp.int32),
        ],
    )(eid, cnt3)


@functools.lru_cache(maxsize=None)
def _sc_mesh():
    return plsc.VectorSubcoreMesh(core_axis_name="c", subcore_axis_name="s",
                                  num_cores=NC, num_subcores=NS)


@functools.lru_cache(maxsize=None)
def _make_sc_scatter():
    @functools.partial(
        pl.kernel,
        out_type=jax.ShapeDtypeStruct((TPAD, DA), jnp.float32),
        mesh=_sc_mesh(),
        scratch_types=[
            pltpu.VMEM((NCS, CS), jnp.int32),
            pltpu.VMEM((NCS, CS), jnp.float32),
            pltpu.VMEM((CS, DA), jnp.float32),
            pltpu.VMEM((CS, DA), jnp.float32),
            pltpu.SemaphoreType.DMA,
            pltpu.SemaphoreType.DMA,
        ],
        compiler_params=pltpu.CompilerParams(needs_layout_passes=False),
    )
    def _sc_scatter(x_hbm, pos_hbm, w_hbm, xs_hbm, posv, wv,
                    row0, row1, lsem, sem):
        wid = lax.axis_index("s") * NC + lax.axis_index("c")
        base = wid * TPW
        pltpu.sync_copy(pos_hbm.at[wid], posv)
        pltpu.sync_copy(w_hbm.at[wid], wv)
        lanes = lax.iota(jnp.int32, 16)
        colD = jnp.full((16,), D, jnp.int32)
        bufs = [row0, row1]
        lcp = {0: pltpu.async_copy(x_hbm.at[pl.ds(base, CS)],
                                   row0.at[:, pl.ds(0, D)], lsem)}
        scp = {}
        for c in range(NCS):
            lcp[c].wait()
            for g in range(CS // 16):
                plsc.store_scatter(bufs[c % 2],
                                   [g * 16 + lanes, colD],
                                   wv[c, pl.ds(g * 16, 16)])
            scp[c] = pltpu.async_copy(bufs[c % 2], xs_hbm.at[posv.at[c]], sem)
            nxt = c + 1
            if nxt < NCS:
                if nxt >= 2:
                    scp[nxt - 2].wait()
                lcp[nxt] = pltpu.async_copy(
                    x_hbm.at[pl.ds(base + nxt * CS, CS)],
                    bufs[nxt % 2].at[:, pl.ds(0, D)], lsem)
        for c in range(max(0, NCS - 2), NCS):
            scp[c].wait()

    return _sc_scatter


def _mm_body(bexp_ref, xs_ref, w_ref, b_ref, ys_ref):
    blk = xs_ref[...]
    a = blk[:, :D].astype(jnp.bfloat16)
    scale = blk[:, D:D + 1]
    w = w_ref[0].astype(jnp.bfloat16)
    mm = lax.dot_general(a, w, (((1,), (1,)), ((), ())),
                         preferred_element_type=jnp.float32)
    ys_ref[...] = (mm + b_ref[0]) * scale


def _tc_mm(bexp, xs, expert_W, expert_b):
    grid_spec = pltpu.PrefetchScalarGridSpec(
        num_scalar_prefetch=1,
        grid=(NBLK,),
        in_specs=[
            pl.BlockSpec((BT, DA), lambda i, be: (i, 0)),
            pl.BlockSpec((1, D, D), lambda i, be: (be[i], 0, 0)),
            pl.BlockSpec((1, 1, D), lambda i, be: (be[i], 0, 0)),
        ],
        out_specs=pl.BlockSpec((BT, D), lambda i, be: (i, 0)),
    )
    return pl.pallas_call(
        _mm_body,
        grid_spec=grid_spec,
        out_shape=jax.ShapeDtypeStruct((TPAD, D), jnp.float32),
    )(bexp, xs, expert_W, expert_b.reshape(E, 1, D))


@functools.lru_cache(maxsize=None)
def _make_sc_gather():
    @functools.partial(
        pl.kernel,
        out_type=jax.ShapeDtypeStruct((T, D), jnp.float32),
        mesh=_sc_mesh(),
        scratch_types=[
            pltpu.VMEM((NCH, CH), jnp.int32),
            pltpu.VMEM((CH, D), jnp.float32),
            pltpu.SemaphoreType.DMA,
        ],
        compiler_params=pltpu.CompilerParams(needs_layout_passes=False),
    )
    def _sc_gather(ys_hbm, pos_hbm, out_hbm, posv, rowv, sem):
        wid = lax.axis_index("s") * NC + lax.axis_index("c")
        base = wid * TPW
        pltpu.sync_copy(pos_hbm.at[wid], posv)
        for c in range(NCH):
            pltpu.async_copy(ys_hbm.at[posv.at[c]], rowv, sem).wait()
            pltpu.sync_copy(rowv, out_hbm.at[pl.ds(base + c * CH, CH)])

    return _sc_gather


def kernel(x, gate_W, expert_W, expert_b):
    gw, eid, w, cnt3 = _tc_gate(x, gate_W)
    pos, bexp3 = _tc_route(eid, cnt3)
    bexp = bexp3.reshape(NBEXP)
    xs = _make_sc_scatter()(x, pos.reshape(NW, NCS, CS),
                            w.reshape(NW, NCS, CS))
    ys = _tc_mm(bexp, xs, expert_W, expert_b)
    out = _make_sc_gather()(ys, pos.reshape(NW, NCH, CH))
    return out, gw

# --- scband reference (transcript-rebuilt; emitter-appended) ---
"""Pipeline reference for scband-mo-e-70841190580926 (READ-ONLY COPY).

The authoritative reference and input builder live on the scoring server;
editing this copy changes nothing except your own understanding.
"""

import jax, jax.numpy as jnp
import numpy as np

NUM_EXPERTS = 8
D_IN = 768
D_OUT = 768
TOKENS = 8192


def setup_inputs(seed: int = 0) -> dict:
    key = jax.random.key(seed)
    k_x, k_gate, k_ew, k_eb = jax.random.split(key, 4)
    x = jax.random.normal(k_x, (TOKENS, D_IN), dtype=jnp.float32)
    # gate: nn.Linear(input_size, num_experts, bias=False) -> weight [E, D_IN]
    gate_W = jax.random.normal(k_gate, (NUM_EXPERTS, D_IN), dtype=jnp.float32) * (1.0 / np.sqrt(D_IN))
    # experts: E x nn.Linear(D_IN, D_OUT) -> weights [E, D_OUT, D_IN], biases [E, D_OUT]
    expert_W = jax.random.normal(k_ew, (NUM_EXPERTS, D_OUT, D_IN), dtype=jnp.float32) * (1.0 / np.sqrt(D_IN))
    expert_b = jax.random.normal(k_eb, (NUM_EXPERTS, D_OUT), dtype=jnp.float32) * 0.01
    return {"x": x, "gate_W": gate_W, "expert_W": expert_W, "expert_b": expert_b}


def reference(x, gate_W, expert_W, expert_b):
    # gate_logits = self.gate(x)
    gate_logits = x @ gate_W.T                                  # [T, E]
    gate_weights = jax.nn.softmax(gate_logits, axis=1)          # [T, E]
    max_weights = jnp.max(gate_weights, axis=1, keepdims=True)  # [T, 1]
    mask = (gate_weights >= max_weights).astype(jnp.float32)    # [T, E]
    selected_weights = gate_weights * mask                      # [T, E]
    # dense loop over experts: every expert applied to every token
    final_output = jnp.zeros((x.shape[0], expert_W.shape[1]), dtype=x.dtype)
    for i in range(expert_W.shape[0]):
        expert_output = x @ expert_W[i].T + expert_b[i]         # [T, D_OUT]
        w = selected_weights[:, i:i + 1]                        # [T, 1]
        final_output = final_output + expert_output * w
    return (final_output, gate_weights)

if __name__ == "__main__":
    import jax
    _d = setup_inputs()
    print(jax.jit(kernel)(*tuple(_d.values())))

</pallas_src>

<mosaic_0001>
#map = affine_map<(d0, d1) -> (0, 0)>
#map1 = affine_map<(d0, d1) -> (0, 0, 0)>
module attributes {stable_mosaic.version = 14 : i64} {
  func.func @_sc_gather(%arg0: i32, %arg1: i32, %arg2: memref<10240x768xf32, #tpu.memory_space<hbm>>, %arg3: memref<32x2x128xi32, #tpu.memory_space<hbm>>, %arg4: memref<8192x768xf32, #tpu.memory_space<hbm>>, %arg5: memref<2x128xi32, #tpu.memory_space<vmem>>, %arg6: memref<128x768xf32, #tpu.memory_space<vmem>>, %arg7: memref<!tpu.dma_semaphore, #tpu.memory_space<semaphore_mem>>) attributes {dimension_semantics = [#tpu.dimension_semantics<core_parallel>, #tpu.dimension_semantics<subcore_parallel>], iteration_bounds = array<i64: 2, 16>, scalar_prefetch = 0 : i64, scratch_operands = 3 : i64, tpu.core_type = #tpu.core_type<sc_vector_subcore>, window_params = [{transform_indices = #map}, {transform_indices = #map1}, {transform_indices = #map}]} {
    %mul3A = arith.constant 2 : i32
    %mul3A_0 = arith.muli %arg1, %mul3A : i32
    %add3A = arith.addi %mul3A_0, %arg0 : i32
    %mul3A_1 = arith.constant 256 : i32
    %mul3A_2 = arith.muli %add3A, %mul3A_1 : i32
    "tpu.region"() ({
      %run_scoped3A = tpu.sem_alloc : memref<!tpu.dma_semaphore, #tpu.memory_space<semaphore_mem>>
      %dma_start3A_33 = arith.constant 0 : i32
      %dma_start3A_34 = arith.constant 0 : i32
      %dma_start3A_35 = tpu.memref_slice %arg3[%add3A, %dma_start3A_33, %dma_start3A_34] : memref<32x2x128xi32, #tpu.memory_space<hbm>> -> memref<1x2x128xi32, #tpu.memory_space<hbm>>
      %dma_start3A_36 = tpu.memref_squeeze %dma_start3A_35 : memref<1x2x128xi32, #tpu.memory_space<hbm>> -> memref<2x128xi32, #tpu.memory_space<hbm>>
      %dma_start3A_37 = arith.constant 0 : i32
      %dma_start3A_38 = arith.constant 0 : i32
      %dma_start3A_39 = tpu.memref_slice %arg3[%add3A, %dma_start3A_37, %dma_start3A_38] : memref<32x2x128xi32, #tpu.memory_space<hbm>> -> memref<1x2x128xi32, #tpu.memory_space<hbm>>
      %dma_start3A_40 = tpu.memref_squeeze %dma_start3A_39 : memref<1x2x128xi32, #tpu.memory_space<hbm>> -> memref<2x128xi32, #tpu.memory_space<hbm>>
      tpu.enqueue_dma source(%dma_start3A_40 : memref<2x128xi32, #tpu.memory_space<hbm>>) target(%arg5 : memref<2x128xi32, #tpu.memory_space<vmem>>) target_semaphore(%run_scoped3A : memref<!tpu.dma_semaphore, #tpu.memory_space<semaphore_mem>>)
      %dma_wait3A_41 = arith.constant 0 : i32
      %dma_wait3A_42 = arith.constant 0 : i32
      %dma_wait3A_43 = tpu.memref_slice %arg3[%add3A, %dma_wait3A_41, %dma_wait3A_42] : memref<32x2x128xi32, #tpu.memory_space<hbm>> -> memref<1x2x128xi32, #tpu.memory_space<hbm>>
      %dma_wait3A_44 = tpu.memref_squeeze %dma_wait3A_43 : memref<1x2x128xi32, #tpu.memory_space<hbm>> -> memref<2x128xi32, #tpu.memory_space<hbm>>
      %dma_wait3A_45 = arith.constant 0 : i32
      %dma_wait3A_46 = arith.constant 0 : i32
      %dma_wait3A_47 = tpu.memref_slice %arg3[%add3A, %dma_wait3A_45, %dma_wait3A_46] : memref<32x2x128xi32, #tpu.memory_space<hbm>> -> memref<1x2x128xi32, #tpu.memory_space<hbm>>
      %dma_wait3A_48 = tpu.memref_squeeze %dma_wait3A_47 : memref<1x2x128xi32, #tpu.memory_space<hbm>> -> memref<2x128xi32, #tpu.memory_space<hbm>>
      tpu.wait_dma2 semaphore(%run_scoped3A : memref<!tpu.dma_semaphore, #tpu.memory_space<semaphore_mem>>) src(%dma_wait3A_48 : memref<2x128xi32, #tpu.memory_space<hbm>>) dst(%arg5 : memref<2x128xi32, #tpu.memory_space<vmem>>)
      tpu.yield
    }) : () -> ()
    %dma_start3A = arith.constant 0 : i32
    %dma_start3A_3 = arith.constant 0 : i32
    %dma_start3A_4 = tpu.memref_slice %arg5[%dma_start3A, %dma_start3A_3] : memref<2x128xi32, #tpu.memory_space<vmem>> -> memref<1x128xi32, #tpu.memory_space<vmem>>
    %dma_start3A_5 = tpu.memref_squeeze %dma_start3A_4 : memref<1x128xi32, #tpu.memory_space<vmem>> -> memref<128xi32, #tpu.memory_space<vmem>>
    %dma_start3A_6 = arith.constant 0 : i32
    %dma_start3A_7 = arith.constant 0 : i32
    %dma_start3A_8 = tpu.memref_slice %arg2[%dma_start3A_6, %dma_start3A_7] : memref<10240x768xf32, #tpu.memory_space<hbm>> -> memref<10240x768xf32, #tpu.memory_space<hbm>>
    tpu.enqueue_indirect_dma source(%dma_start3A_8 : memref<10240x768xf32, #tpu.memory_space<hbm>>) target(%arg6 : memref<128x768xf32, #tpu.memory_space<vmem>>) offsets(%dma_start3A_5 : memref<128xi32, #tpu.memory_space<vmem>>) semaphore(%arg7 : memref<!tpu.dma_semaphore, #tpu.memory_space<semaphore_mem>>)
    %dma_wait3A = arith.constant 0 : i32
    %dma_wait3A_9 = arith.constant 0 : i32
    %dma_wait3A_10 = tpu.memref_slice %arg5[%dma_wait3A, %dma_wait3A_9] : memref<2x128xi32, #tpu.memory_space<vmem>> -> memref<1x128xi32, #tpu.memory_space<vmem>>
    %dma_wait3A_11 = tpu.memref_squeeze %dma_wait3A_10 : memref<1x128xi32, #tpu.memory_space<vmem>> -> memref<128xi32, #tpu.memory_space<vmem>>
    %dma_wait3A_12 = arith.constant 0 : i32
    %dma_wait3A_13 = arith.constant 0 : i32
    %dma_wait3A_14 = tpu.memref_slice %arg2[%dma_wait3A_12, %dma_wait3A_13] : memref<10240x768xf32, #tpu.memory_space<hbm>> -> memref<10240x768xf32, #tpu.memory_space<hbm>>
    tpu.wait_indirect_dma semaphore(%arg7 : memref<!tpu.dma_semaphore, #tpu.memory_space<semaphore_mem>>) src(%dma_wait3A_14 : memref<10240x768xf32, #tpu.memory_space<hbm>>) dst(%arg6 : memref<128x768xf32, #tpu.memory_space<vmem>>)
    %add3A_15 = arith.constant 0 : i32
    %add3A_16 = arith.addi %mul3A_2, %add3A_15 : i32
    "tpu.region"() ({
      %run_scoped3A = tpu.sem_alloc : memref<!tpu.dma_semaphore, #tpu.memory_space<semaphore_mem>>
      %dma_start3A_33 = arith.constant 0 : i32
      %dma_start3A_34 = tpu.memref_slice %arg4[%add3A_16, %dma_start3A_33] : memref<8192x768xf32, #tpu.memory_space<hbm>> -> memref<128x768xf32, #tpu.memory_space<hbm>>
      %dma_start3A_35 = arith.constant 0 : i32
      %dma_start3A_36 = tpu.memref_slice %arg4[%add3A_16, %dma_start3A_35] : memref<8192x768xf32, #tpu.memory_space<hbm>> -> memref<128x768xf32, #tpu.memory_space<hbm>>
      tpu.enqueue_dma source(%arg6 : memref<128x768xf32, #tpu.memory_space<vmem>>) target(%dma_start3A_36 : memref<128x768xf32, #tpu.memory_space<hbm>>) target_semaphore(%run_scoped3A : memref<!tpu.dma_semaphore, #tpu.memory_space<semaphore_mem>>)
      %dma_wait3A_37 = arith.constant 0 : i32
      %dma_wait3A_38 = tpu.memref_slice %arg4[%add3A_16, %dma_wait3A_37] : memref<8192x768xf32, #tpu.memory_space<hbm>> -> memref<128x768xf32, #tpu.memory_space<hbm>>
      %dma_wait3A_39 = arith.constant 0 : i32
      %dma_wait3A_40 = tpu.memref_slice %arg4[%add3A_16, %dma_wait3A_39] : memref<8192x768xf32, #tpu.memory_space<hbm>> -> memref<128x768xf32, #tpu.memory_space<hbm>>
      tpu.wait_dma2 semaphore(%run_scoped3A : memref<!tpu.dma_semaphore, #tpu.memory_space<semaphore_mem>>) src(%arg6 : memref<128x768xf32, #tpu.memory_space<vmem>>) dst(%dma_wait3A_40 : memref<128x768xf32, #tpu.memory_space<hbm>>)
      tpu.yield
    }) : () -> ()
    %dma_start3A_17 = arith.constant 1 : i32
    %dma_start3A_18 = arith.constant 0 : i32
    %dma_start3A_19 = tpu.memref_slice %arg5[%dma_start3A_17, %dma_start3A_18] : memref<2x128xi32, #tpu.memory_space<vmem>> -> memref<1x128xi32, #tpu.memory_space<vmem>>
    %dma_start3A_20 = tpu.memref_squeeze %dma_start3A_19 : memref<1x128xi32, #tpu.memory_space<vmem>> -> memref<128xi32, #tpu.memory_space<vmem>>
    %dma_start3A_21 = arith.constant 0 : i32
    %dma_start3A_22 = arith.constant 0 : i32
    %dma_start3A_23 = tpu.memref_slice %arg2[%dma_start3A_21, %dma_start3A_22] : memref<10240x768xf32, #tpu.memory_space<hbm>> -> memref<10240x768xf32, #tpu.memory_space<hbm>>
    tpu.enqueue_indirect_dma source(%dma_start3A_23 : memref<10240x768xf32, #tpu.memory_space<hbm>>) target(%arg6 : memref<128x768xf32, #tpu.memory_space<vmem>>) offsets(%dma_start3A_20 : memref<128xi32, #tpu.memory_space<vmem>>) semaphore(%arg7 : memref<!tpu.dma_semaphore, #tpu.memory_space<semaphore_mem>>)
    %dma_wait3A_24 = arith.constant 1 : i32
    %dma_wait3A_25 = arith.constant 0 : i32
    %dma_wait3A_26 = tpu.memref_slice %arg5[%dma_wait3A_24, %dma_wait3A_25] : memref<2x128xi32, #tpu.memory_space<vmem>> -> memref<1x128xi32, #tpu.memory_space<vmem>>
    %dma_wait3A_27 = tpu.memref_squeeze %dma_wait3A_26 : memref<1x128xi32, #tpu.memory_space<vmem>> -> memref<128xi32, #tpu.memory_space<vmem>>
    %dma_wait3A_28 = arith.constant 0 : i32
    %dma_wait3A_29 = arith.constant 0 : i32
    %dma_wait3A_30 = tpu.memref_slice %arg2[%dma_wait3A_28, %dma_wait3A_29] : memref<10240x768xf32, #tpu.memory_space<hbm>> -> memref<10240x768xf32, #tpu.memory_space<hbm>>
    tpu.wait_indirect_dma semaphore(%arg7 : memref<!tpu.dma_semaphore, #tpu.memory_space<semaphore_mem>>) src(%dma_wait3A_30 : memref<10240x768xf32, #tpu.memory_space<hbm>>) dst(%arg6 : memref<128x768xf32, #tpu.memory_space<vmem>>)
    %add3A_31 = arith.constant 128 : i32
    %add3A_32 = arith.addi %mul3A_2, %add3A_31 : i32
    "tpu.region"() ({
      %run_scoped3A = tpu.sem_alloc : memref<!tpu.dma_semaphore, #tpu.memory_space<semaphore_mem>>
      %dma_start3A_33 = arith.constant 0 : i32
      %dma_start3A_34 = tpu.memref_slice %arg4[%add3A_32, %dma_start3A_33] : memref<8192x768xf32, #tpu.memory_space<hbm>> -> memref<128x768xf32, #tpu.memory_space<hbm>>
      %dma_start3A_35 = arith.constant 0 : i32
      %dma_start3A_36 = tpu.memref_slice %arg4[%add3A_32, %dma_start3A_35] : memref<8192x768xf32, #tpu.memory_space<hbm>> -> memref<128x768xf32, #tpu.memory_space<hbm>>
      tpu.enqueue_dma source(%arg6 : memref<128x768xf32, #tpu.memory_space<vmem>>) target(%dma_start3A_36 : memref<128x768xf32, #tpu.memory_space<hbm>>) target_semaphore(%run_scoped3A : memref<!tpu.dma_semaphore, #tpu.memory_space<semaphore_mem>>)
      %dma_wait3A_37 = arith.constant 0 : i32
      %dma_wait3A_38 = tpu.memref_slice %arg4[%add3A_32, %dma_wait3A_37] : memref<8192x768xf32, #tpu.memory_space<hbm>> -> memref<128x768xf32, #tpu.memory_space<hbm>>
      %dma_wait3A_39 = arith.constant 0 : i32
      %dma_wait3A_40 = tpu.memref_slice %arg4[%add3A_32, %dma_wait3A_39] : memref<8192x768xf32, #tpu.memory_space<hbm>> -> memref<128x768xf32, #tpu.memory_space<hbm>>
      tpu.wait_dma2 semaphore(%run_scoped3A : memref<!tpu.dma_semaphore, #tpu.memory_space<semaphore_mem>>) src(%arg6 : memref<128x768xf32, #tpu.memory_space<vmem>>) dst(%dma_wait3A_40 : memref<128x768xf32, #tpu.memory_space<hbm>>)
      tpu.yield
    }) : () -> ()
    return
  }
}

#map = affine_map<(d0, d1) -> (0, 0)>
#map1 = affine_map<(d0, d1) -> (0, 0, 0)>
module attributes {stable_mosaic.version = 14 : i64} {
  func.func @_sc_scatter(%arg0: i32, %arg1: i32, %arg2: memref<8192x768xf32, #tpu.memory_space<hbm>>, %arg3: memref<32x4x64xi32, #tpu.memory_space<hbm>>, %arg4: memref<32x4x64xf32, #tpu.memory_space<hbm>>, %arg5: memref<10240x896xf32, #tpu.memory_space<hbm>>, %arg6: memref<4x64xi32, #tpu.memory_space<vmem>>, %arg7: memref<4x64xf32, #tpu.memory_space<vmem>>, %arg8: memref<64x896xf32, #tpu.memory_space<vmem>>, %arg9: memref<64x896xf32, #tpu.memory_space<vmem>>, %arg10: memref<!tpu.dma_semaphore, #tpu.memory_space<semaphore_mem>>, %arg11: memref<!tpu.dma_semaphore, #tpu.memory_space<semaphore_mem>>) attributes {dimension_semantics = [#tpu.dimension_semantics<core_parallel>, #tpu.dimension_semantics<subcore_parallel>], iteration_bounds = array<i64: 2, 16>, scalar_prefetch = 0 : i64, scratch_operands = 6 : i64, tpu.core_type = #tpu.core_type<sc_vector_subcore>, window_params = [{transform_indices = #map}, {transform_indices = #map1}, {transform_indices = #map1}, {transform_indices = #map}]} {
    %mul3A = arith.constant 2 : i32
    %mul3A_0 = arith.muli %arg1, %mul3A : i32
    %add3A = arith.addi %mul3A_0, %arg0 : i32
    %mul3A_1 = arith.constant 256 : i32
    %mul3A_2 = arith.muli %add3A, %mul3A_1 : i32
    "tpu.region"() ({
      %run_scoped3A = tpu.sem_alloc : memref<!tpu.dma_semaphore, #tpu.memory_space<semaphore_mem>>
      %dma_start3A_255 = arith.constant 0 : i32
      %dma_start3A_256 = arith.constant 0 : i32
      %dma_start3A_257 = tpu.memref_slice %arg3[%add3A, %dma_start3A_255, %dma_start3A_256] : memref<32x4x64xi32, #tpu.memory_space<hbm>> -> memref<1x4x64xi32, #tpu.memory_space<hbm>>
      %dma_start3A_258 = tpu.memref_squeeze %dma_start3A_257 : memref<1x4x64xi32, #tpu.memory_space<hbm>> -> memref<4x64xi32, #tpu.memory_space<hbm>>
      %dma_start3A_259 = arith.constant 0 : i32
      %dma_start3A_260 = arith.constant 0 : i32
      %dma_start3A_261 = tpu.memref_slice %arg3[%add3A, %dma_start3A_259, %dma_start3A_260] : memref<32x4x64xi32, #tpu.memory_space<hbm>> -> memref<1x4x64xi32, #tpu.memory_space<hbm>>
      %dma_start3A_262 = tpu.memref_squeeze %dma_start3A_261 : memref<1x4x64xi32, #tpu.memory_space<hbm>> -> memref<4x64xi32, #tpu.memory_space<hbm>>
      tpu.enqueue_dma source(%dma_start3A_262 : memref<4x64xi32, #tpu.memory_space<hbm>>) target(%arg6 : memref<4x64xi32, #tpu.memory_space<vmem>>) target_semaphore(%run_scoped3A : memref<!tpu.dma_semaphore, #tpu.memory_space<semaphore_mem>>)
      %dma_wait3A_263 = arith.constant 0 : i32
      %dma_wait3A_264 = arith.constant 0 : i32
      %dma_wait3A_265 = tpu.memref_slice %arg3[%add3A, %dma_wait3A_263, %dma_wait3A_264] : memref<32x4x64xi32, #tpu.memory_space<hbm>> -> memref<1x4x64xi32, #tpu.memory_space<hbm>>
      %dma_wait3A_266 = tpu.memref_squeeze %dma_wait3A_265 : memref<1x4x64xi32, #tpu.memory_space<hbm>> -> memref<4x64xi32, #tpu.memory_space<hbm>>
      %dma_wait3A_267 = arith.constant 0 : i32
      %dma_wait3A_268 = arith.constant 0 : i32
      %dma_wait3A_269 = tpu.memref_slice %arg3[%add3A, %dma_wait3A_267, %dma_wait3A_268] : memref<32x4x64xi32, #tpu.memory_space<hbm>> -> memref<1x4x64xi32, #tpu.memory_space<hbm>>
      %dma_wait3A_270 = tpu.memref_squeeze %dma_wait3A_269 : memref<1x4x64xi32, #tpu.memory_space<hbm>> -> memref<4x64xi32, #tpu.memory_space<hbm>>
      tpu.wait_dma2 semaphore(%run_scoped3A : memref<!tpu.dma_semaphore, #tpu.memory_space<semaphore_mem>>) src(%dma_wait3A_270 : memref<4x64xi32, #tpu.memory_space<hbm>>) dst(%arg6 : memref<4x64xi32, #tpu.memory_space<vmem>>)
      tpu.yield
    }) : () -> ()
    "tpu.region"() ({
      %run_scoped3A = tpu.sem_alloc : memref<!tpu.dma_semaphore, #tpu.memory_space<semaphore_mem>>
      %dma_start3A_255 = arith.constant 0 : i32
      %dma_start3A_256 = arith.constant 0 : i32
      %dma_start3A_257 = tpu.memref_slice %arg4[%add3A, %dma_start3A_255, %dma_start3A_256] : memref<32x4x64xf32, #tpu.memory_space<hbm>> -> memref<1x4x64xf32, #tpu.memory_space<hbm>>
      %dma_start3A_258 = tpu.memref_squeeze %dma_start3A_257 : memref<1x4x64xf32, #tpu.memory_space<hbm>> -> memref<4x64xf32, #tpu.memory_space<hbm>>
      %dma_start3A_259 = arith.constant 0 : i32
      %dma_start3A_260 = arith.constant 0 : i32
      %dma_start3A_261 = tpu.memref_slice %arg4[%add3A, %dma_start3A_259, %dma_start3A_260] : memref<32x4x64xf32, #tpu.memory_space<hbm>> -> memref<1x4x64xf32, #tpu.memory_space<hbm>>
      %dma_start3A_262 = tpu.memref_squeeze %dma_start3A_261 : memref<1x4x64xf32, #tpu.memory_space<hbm>> -> memref<4x64xf32, #tpu.memory_space<hbm>>
      tpu.enqueue_dma source(%dma_start3A_262 : memref<4x64xf32, #tpu.memory_space<hbm>>) target(%arg7 : memref<4x64xf32, #tpu.memory_space<vmem>>) target_semaphore(%run_scoped3A : memref<!tpu.dma_semaphore, #tpu.memory_space<semaphore_mem>>)
      %dma_wait3A_263 = arith.constant 0 : i32
      %dma_wait3A_264 = arith.constant 0 : i32
      %dma_wait3A_265 = tpu.memref_slice %arg4[%add3A, %dma_wait3A_263, %dma_wait3A_264] : memref<32x4x64xf32, #tpu.memory_space<hbm>> -> memref<1x4x64xf32, #tpu.memory_space<hbm>>
      %dma_wait3A_266 = tpu.memref_squeeze %dma_wait3A_265 : memref<1x4x64xf32, #tpu.memory_space<hbm>> -> memref<4x64xf32, #tpu.memory_space<hbm>>
      %dma_wait3A_267 = arith.constant 0 : i32
      %dma_wait3A_268 = arith.constant 0 : i32
      %dma_wait3A_269 = tpu.memref_slice %arg4[%add3A, %dma_wait3A_267, %dma_wait3A_268] : memref<32x4x64xf32, #tpu.memory_space<hbm>> -> memref<1x4x64xf32, #tpu.memory_space<hbm>>
      %dma_wait3A_270 = tpu.memref_squeeze %dma_wait3A_269 : memref<1x4x64xf32, #tpu.memory_space<hbm>> -> memref<4x64xf32, #tpu.memory_space<hbm>>
      tpu.wait_dma2 semaphore(%run_scoped3A : memref<!tpu.dma_semaphore, #tpu.memory_space<semaphore_mem>>) src(%dma_wait3A_270 : memref<4x64xf32, #tpu.memory_space<hbm>>) dst(%arg7 : memref<4x64xf32, #tpu.memory_space<vmem>>)
      tpu.yield
    }) : () -> ()
    %iota3A = tpu.iota {dimensions = array<i32: 0>} : vector<16xi32>
    %broadcast_in_dim3A = arith.constant 768 : i32
    %broadcast_in_dim3A_3 = vector.broadcast %broadcast_in_dim3A : i32 to vector<16xi32>
    %dma_start3A = arith.constant 0 : i32
    %dma_start3A_4 = arith.constant 0 : i32
    %dma_start3A_5 = tpu.memref_slice %arg8[%dma_start3A, %dma_start3A_4] : memref<64x896xf32, #tpu.memory_space<vmem>> -> memref<64x768xf32, #tpu.memory_space<vmem>>
    %dma_start3A_6 = arith.constant 0 : i32
    %dma_start3A_7 = tpu.memref_slice %arg2[%mul3A_2, %dma_start3A_6] : memref<8192x768xf32, #tpu.memory_space<hbm>> -> memref<64x768xf32, #tpu.memory_space<hbm>>
    %dma_start3A_8 = arith.constant 0 : i32
    %dma_start3A_9 = arith.constant 0 : i32
    %dma_start3A_10 = tpu.memref_slice %arg8[%dma_start3A_8, %dma_start3A_9] : memref<64x896xf32, #tpu.memory_space<vmem>> -> memref<64x768xf32, #tpu.memory_space<vmem>>
    %dma_start3A_11 = arith.constant 0 : i32
    %dma_start3A_12 = tpu.memref_slice %arg2[%mul3A_2, %dma_start3A_11] : memref<8192x768xf32, #tpu.memory_space<hbm>> -> memref<64x768xf32, #tpu.memory_space<hbm>>
    tpu.enqueue_dma source(%dma_start3A_12 : memref<64x768xf32, #tpu.memory_space<hbm>>) target(%dma_start3A_10 : memref<64x768xf32, #tpu.memory_space<vmem>>) target_semaphore(%arg10 : memref<!tpu.dma_semaphore, #tpu.memory_space<semaphore_mem>>)
    %dma_wait3A = arith.constant 0 : i32
    %dma_wait3A_13 = arith.constant 0 : i32
    %dma_wait3A_14 = tpu.memref_slice %arg8[%dma_wait3A, %dma_wait3A_13] : memref<64x896xf32, #tpu.memory_space<vmem>> -> memref<64x768xf32, #tpu.memory_space<vmem>>
    %dma_wait3A_15 = arith.constant 0 : i32
    %dma_wait3A_16 = tpu.memref_slice %arg2[%mul3A_2, %dma_wait3A_15] : memref<8192x768xf32, #tpu.memory_space<hbm>> -> memref<64x768xf32, #tpu.memory_space<hbm>>
    %dma_wait3A_17 = arith.constant 0 : i32
    %dma_wait3A_18 = arith.constant 0 : i32
    %dma_wait3A_19 = tpu.memref_slice %arg8[%dma_wait3A_17, %dma_wait3A_18] : memref<64x896xf32, #tpu.memory_space<vmem>> -> memref<64x768xf32, #tpu.memory_space<vmem>>
    %dma_wait3A_20 = arith.constant 0 : i32
    %dma_wait3A_21 = tpu.memref_slice %arg2[%mul3A_2, %dma_wait3A_20] : memref<8192x768xf32, #tpu.memory_space<hbm>> -> memref<64x768xf32, #tpu.memory_space<hbm>>
    tpu.wait_dma2 semaphore(%arg10 : memref<!tpu.dma_semaphore, #tpu.memory_space<semaphore_mem>>) src(%dma_wait3A_21 : memref<64x768xf32, #tpu.memory_space<hbm>>) dst(%dma_wait3A_19 : memref<64x768xf32, #tpu.memory_space<vmem>>)
    %add3A_22 = arith.constant 0 : i32
    %add3A_23 = vector.broadcast %add3A_22 : i32 to vector<16xi32>
    %add3A_24 = arith.addi %add3A_23, %iota3A : vector<16xi32>
    %get3A = arith.constant 0 : i32
    %get3A_25 = arith.index_cast %get3A : i32 to index
    %get3A_26 = arith.constant 0 : index
    %get3A_27 = tpu.vector_load %arg7[%get3A_25, %get3A_26] {strides = array<i32>} : memref<4x64xf32, #tpu.memory_space<vmem>>, vector<16xf32>,
    tpu.vector_store_idx %arg8[%add3A_24, %broadcast_in_dim3A_3], %get3A_27 : memref<64x896xf32, #tpu.memory_space<vmem>>[vector<16xi32>, vector<16xi32>], vector<16xf32>,
    %add3A_28 = arith.constant 16 : i32
    %add3A_29 = vector.broadcast %add3A_28 : i32 to vector<16xi32>
    %add3A_30 = arith.addi %add3A_29, %iota3A : vector<16xi32>
    %get3A_31 = arith.constant 0 : i32
    %get3A_32 = arith.index_cast %get3A_31 : i32 to index
    %get3A_33 = arith.constant 16 : index
    %get3A_34 = tpu.vector_load %arg7[%get3A_32, %get3A_33] {strides = array<i32>} : memref<4x64xf32, #tpu.memory_space<vmem>>, vector<16xf32>,
    tpu.vector_store_idx %arg8[%add3A_30, %broadcast_in_dim3A_3], %get3A_34 : memref<64x896xf32, #tpu.memory_space<vmem>>[vector<16xi32>, vector<16xi32>], vector<16xf32>,
    %add3A_35 = arith.constant 32 : i32
    %add3A_36 = vector.broadcast %add3A_35 : i32 to vector<16xi32>
    %add3A_37 = arith.addi %add3A_36, %iota3A : vector<16xi32>
    %get3A_38 = arith.constant 0 : i32
    %get3A_39 = arith.index_cast %get3A_38 : i32 to index
    %get3A_40 = arith.constant 32 : index
    %get3A_41 = tpu.vector_load %arg7[%get3A_39, %get3A_40] {strides = array<i32>} : memref<4x64xf32, #tpu.memory_space<vmem>>, vector<16xf32>,
    tpu.vector_store_idx %arg8[%add3A_37, %broadcast_in_dim3A_3], %get3A_41 : memref<64x896xf32, #tpu.memory_space<vmem>>[vector<16xi32>, vector<16xi32>], vector<16xf32>,
    %add3A_42 = arith.constant 48 : i32
    %add3A_43 = vector.broadcast %add3A_42 : i32 to vector<16xi32>
    %add3A_44 = arith.addi %add3A_43, %iota3A : vector<16xi32>
    %get3A_45 = arith.constant 0 : i32
    %get3A_46 = arith.index_cast %get3A_45 : i32 to index
    %get3A_47 = arith.constant 48 : index
    %get3A_48 = tpu.vector_load %arg7[%get3A_46, %get3A_47] {strides = array<i32>} : memref<4x64xf32, #tpu.memory_space<vmem>>, vector<16xf32>,
    tpu.vector_store_idx %arg8[%add3A_44, %broadcast_in_dim3A_3], %get3A_48 : memref<64x896xf32, #tpu.memory_space<vmem>>[vector<16xi32>, vector<16xi32>], vector<16xf32>,
    %dma_start3A_49 = arith.constant 0 : i32
    %dma_start3A_50 = arith.constant 0 : i32
    %dma_start3A_51 = tpu.memref_slice %arg6[%dma_start3A_49, %dma_start3A_50] : memref<4x64xi32, #tpu.memory_space<vmem>> -> memref<1x64xi32, #tpu.memory_space<vmem>>
    %dma_start3A_52 = tpu.memref_squeeze %dma_start3A_51 : memref<1x64xi32, #tpu.memory_space<vmem>> -> memref<64xi32, #tpu.memory_space<vmem>>
    %dma_start3A_53 = arith.constant 0 : i32
    %dma_start3A_54 = arith.constant 0 : i32
    %dma_start3A_55 = tpu.memref_slice %arg5[%dma_start3A_53, %dma_start3A_54] : memref<10240x896xf32, #tpu.memory_space<hbm>> -> memref<10240x896xf32, #tpu.memory_space<hbm>>
    tpu.enqueue_indirect_dma source(%arg8 : memref<64x896xf32, #tpu.memory_space<vmem>>) target(%dma_start3A_55 : memref<10240x896xf32, #tpu.memory_space<hbm>>) offsets(%dma_start3A_52 : memref<64xi32, #tpu.memory_space<vmem>>) semaphore(%arg11 : memref<!tpu.dma_semaphore, #tpu.memory_space<semaphore_mem>>)
    %add3A_56 = arith.constant 64 : i32
    %add3A_57 = arith.addi %mul3A_2, %add3A_56 : i32
    %dma_start3A_58 = arith.constant 0 : i32
    %dma_start3A_59 = arith.constant 0 : i32
    %dma_start3A_60 = tpu.memref_slice %arg9[%dma_start3A_58, %dma_start3A_59] : memref<64x896xf32, #tpu.memory_space<vmem>> -> memref<64x768xf32, #tpu.memory_space<vmem>>
    %dma_start3A_61 = arith.constant 0 : i32
    %dma_start3A_62 = tpu.memref_slice %arg2[%add3A_57, %dma_start3A_61] : memref<8192x768xf32, #tpu.memory_space<hbm>> -> memref<64x768xf32, #tpu.memory_space<hbm>>
    %dma_start3A_63 = arith.constant 0 : i32
    %dma_start3A_64 = arith.constant 0 : i32
    %dma_start3A_65 = tpu.memref_slice %arg9[%dma_start3A_63, %dma_start3A_64] : memref<64x896xf32, #tpu.memory_space<vmem>> -> memref<64x768xf32, #tpu.memory_space<vmem>>
    %dma_start3A_66 = arith.constant 0 : i32
    %dma_start3A_67 = tpu.memref_slice %arg2[%add3A_57, %dma_start3A_66] : memref<8192x768xf32, #tpu.memory_space<hbm>> -> memref<64x768xf32, #tpu.memory_space<hbm>>
    tpu.enqueue_dma source(%dma_start3A_67 : memref<64x768xf32, #tpu.memory_space<hbm>>) target(%dma_start3A_65 : memref<64x768xf32, #tpu.memory_space<vmem>>) target_semaphore(%arg10 : memref<!tpu.dma_semaphore, #tpu.memory_space<semaphore_mem>>)
    %dma_wait3A_68 = arith.constant 0 : i32
    %dma_wait3A_69 = arith.constant 0 : i32
    %dma_wait3A_70 = tpu.memref_slice %arg9[%dma_wait3A_68, %dma_wait3A_69] : memref<64x896xf32, #tpu.memory_space<vmem>> -> memref<64x768xf32, #tpu.memory_space<vmem>>
    %dma_wait3A_71 = arith.constant 0 : i32
    %dma_wait3A_72 = tpu.memref_slice %arg2[%add3A_57, %dma_wait3A_71] : memref<8192x768xf32, #tpu.memory_space<hbm>> -> memref<64x768xf32, #tpu.memory_space<hbm>>
    %dma_wait3A_73 = arith.constant 0 : i32
    %dma_wait3A_74 = arith.constant 0 : i32
    %dma_wait3A_75 = tpu.memref_slice %arg9[%dma_wait3A_73, %dma_wait3A_74] : memref<64x896xf32, #tpu.memory_space<vmem>> -> memref<64x768xf32, #tpu.memory_space<vmem>>
    %dma_wait3A_76 = arith.constant 0 : i32
    %dma_wait3A_77 = tpu.memref_slice %arg2[%add3A_57, %dma_wait3A_76] : memref<8192x768xf32, #tpu.memory_space<hbm>> -> memref<64x768xf32, #tpu.memory_space<hbm>>
    tpu.wait_dma2 semaphore(%arg10 : memref<!tpu.dma_semaphore, #tpu.memory_space<semaphore_mem>>) src(%dma_wait3A_77 : memref<64x768xf32, #tpu.memory_space<hbm>>) dst(%dma_wait3A_75 : memref<64x768xf32, #tpu.memory_space<vmem>>)
    %add3A_78 = arith.constant 0 : i32
    %add3A_79 = vector.broadcast %add3A_78 : i32 to vector<16xi32>
    %add3A_80 = arith.addi %add3A_79, %iota3A : vector<16xi32>
    %get3A_81 = arith.constant 1 : i32
    %get3A_82 = arith.index_cast %get3A_81 : i32 to index
    %get3A_83 = arith.constant 0 : index
    %get3A_84 = tpu.vector_load %arg7[%get3A_82, %get3A_83] {strides = array<i32>} : memref<4x64xf32, #tpu.memory_space<vmem>>, vector<16xf32>,
    tpu.vector_store_idx %arg9[%add3A_80, %broadcast_in_dim3A_3], %get3A_84 : memref<64x896xf32, #tpu.memory_space<vmem>>[vector<16xi32>, vector<16xi32>], vector<16xf32>,
    %add3A_85 = arith.constant 16 : i32
    %add3A_86 = vector.broadcast %add3A_85 : i32 to vector<16xi32>
    %add3A_87 = arith.addi %add3A_86, %iota3A : vector<16xi32>
    %get3A_88 = arith.constant 1 : i32
    %get3A_89 = arith.index_cast %get3A_88 : i32 to index
    %get3A_90 = arith.constant 16 : index
    %get3A_91 = tpu.vector_load %arg7[%get3A_89, %get3A_90] {strides = array<i32>} : memref<4x64xf32, #tpu.memory_space<vmem>>, vector<16xf32>,
    tpu.vector_store_idx %arg9[%add3A_87, %broadcast_in_dim3A_3], %get3A_91 : memref<64x896xf32, #tpu.memory_space<vmem>>[vector<16xi32>, vector<16xi32>], vector<16xf32>,
    %add3A_92 = arith.constant 32 : i32
    %add3A_93 = vector.broadcast %add3A_92 : i32 to vector<16xi32>
    %add3A_94 = arith.addi %add3A_93, %iota3A : vector<16xi32>
    %get3A_95 = arith.constant 1 : i32
    %get3A_96 = arith.index_cast %get3A_95 : i32 to index
    %get3A_97 = arith.constant 32 : index
    %get3A_98 = tpu.vector_load %arg7[%get3A_96, %get3A_97] {strides = array<i32>} : memref<4x64xf32, #tpu.memory_space<vmem>>, vector<16xf32>,
    tpu.vector_store_idx %arg9[%add3A_94, %broadcast_in_dim3A_3], %get3A_98 : memref<64x896xf32, #tpu.memory_space<vmem>>[vector<16xi32>, vector<16xi32>], vector<16xf32>,
    %add3A_99 = arith.constant 48 : i32
    %add3A_100 = vector.broadcast %add3A_99 : i32 to vector<16xi32>
    %add3A_101 = arith.addi %add3A_100, %iota3A : vector<16xi32>
    %get3A_102 = arith.constant 1 : i32
    %get3A_103 = arith.index_cast %get3A_102 : i32 to index
    %get3A_104 = arith.constant 48 : index
    %get3A_105 = tpu.vector_load %arg7[%get3A_103, %get3A_104] {strides = array<i32>} : memref<4x64xf32, #tpu.memory_space<vmem>>, vector<16xf32>,
    tpu.vector_store_idx %arg9[%add3A_101, %broadcast_in_dim3A_3], %get3A_105 : memref<64x896xf32, #tpu.memory_space<vmem>>[vector<16xi32>, vector<16xi32>], vector<16xf32>,
    %dma_start3A_106 = arith.constant 1 : i32
    %dma_start3A_107 = arith.constant 0 : i32
    %dma_start3A_108 = tpu.memref_slice %arg6[%dma_start3A_106, %dma_start3A_107] : memref<4x64xi32, #tpu.memory_space<vmem>> -> memref<1x64xi32, #tpu.memory_space<vmem>>
    %dma_start3A_109 = tpu.memref_squeeze %dma_start3A_108 : memref<1x64xi32, #tpu.memory_space<vmem>> -> memref<64xi32, #tpu.memory_space<vmem>>
    %dma_start3A_110 = arith.constant 0 : i32
    %dma_start3A_111 = arith.constant 0 : i32
    %dma_start3A_112 = tpu.memref_slice %arg5[%dma_start3A_110, %dma_start3A_111] : memref<10240x896xf32, #tpu.memory_space<hbm>> -> memref<10240x896xf32, #tpu.memory_space<hbm>>
    tpu.enqueue_indirect_dma source(%arg9 : memref<64x896xf32, #tpu.memory_space<vmem>>) target(%dma_start3A_112 : memref<10240x896xf32, #tpu.memory_space<hbm>>) offsets(%dma_start3A_109 : memref<64xi32, #tpu.memory_space<vmem>>) semaphore(%arg11 : memref<!tpu.dma_semaphore, #tpu.memory_space<semaphore_mem>>)
    %dma_wait3A_113 = arith.constant 0 : i32
    %dma_wait3A_114 = arith.constant 0 : i32
    %dma_wait3A_115 = tpu.memref_slice %arg6[%dma_wait3A_113, %dma_wait3A_114] : memref<4x64xi32, #tpu.memory_space<vmem>> -> memref<1x64xi32, #tpu.memory_space<vmem>>
    %dma_wait3A_116 = tpu.memref_squeeze %dma_wait3A_115 : memref<1x64xi32, #tpu.memory_space<vmem>> -> memref<64xi32, #tpu.memory_space<vmem>>
    %dma_wait3A_117 = arith.constant 0 : i32
    %dma_wait3A_118 = arith.constant 0 : i32
    %dma_wait3A_119 = tpu.memref_slice %arg5[%dma_wait3A_117, %dma_wait3A_118] : memref<10240x896xf32, #tpu.memory_space<hbm>> -> memref<10240x896xf32, #tpu.memory_space<hbm>>
    tpu.wait_indirect_dma semaphore(%arg11 : memref<!tpu.dma_semaphore, #tpu.memory_space<semaphore_mem>>) src(%arg8 : memref<64x896xf32, #tpu.memory_space<vmem>>) dst(%dma_wait3A_119 : memref<10240x896xf32, #tpu.memory_space<hbm>>)
    %add3A_120 = arith.constant 128 : i32
    %add3A_121 = arith.addi %mul3A_2, %add3A_120 : i32
    %dma_start3A_122 = arith.constant 0 : i32
    %dma_start3A_123 = arith.constant 0 : i32
    %dma_start3A_124 = tpu.memref_slice %arg8[%dma_start3A_122, %dma_start3A_123] : memref<64x896xf32, #tpu.memory_space<vmem>> -> memref<64x768xf32, #tpu.memory_space<vmem>>
    %dma_start3A_125 = arith.constant 0 : i32
    %dma_start3A_126 = tpu.memref_slice %arg2[%add3A_121, %dma_start3A_125] : memref<8192x768xf32, #tpu.memory_space<hbm>> -> memref<64x768xf32, #tpu.memory_space<hbm>>
    %dma_start3A_127 = arith.constant 0 : i32
    %dma_start3A_128 = arith.constant 0 : i32
    %dma_start3A_129 = tpu.memref_slice %arg8[%dma_start3A_127, %dma_start3A_128] : memref<64x896xf32, #tpu.memory_space<vmem>> -> memref<64x768xf32, #tpu.memory_space<vmem>>
    %dma_start3A_130 = arith.constant 0 : i32
    %dma_start3A_131 = tpu.memref_slice %arg2[%add3A_121, %dma_start3A_130] : memref<8192x768xf32, #tpu.memory_space<hbm>> -> memref<64x768xf32, #tpu.memory_space<hbm>>
    tpu.enqueue_dma source(%dma_start3A_131 : memref<64x768xf32, #tpu.memory_space<hbm>>) target(%dma_start3A_129 : memref<64x768xf32, #tpu.memory_space<vmem>>) target_semaphore(%arg10 : memref<!tpu.dma_semaphore, #tpu.memory_space<semaphore_mem>>)
    %dma_wait3A_132 = arith.constant 0 : i32
    %dma_wait3A_133 = arith.constant 0 : i32
    %dma_wait3A_134 = tpu.memref_slice %arg8[%dma_wait3A_132, %dma_wait3A_133] : memref<64x896xf32, #tpu.memory_space<vmem>> -> memref<64x768xf32, #tpu.memory_space<vmem>>
    %dma_wait3A_135 = arith.constant 0 : i32
    %dma_wait3A_136 = tpu.memref_slice %arg2[%add3A_121, %dma_wait3A_135] : memref<8192x768xf32, #tpu.memory_space<hbm>> -> memref<64x768xf32, #tpu.memory_space<hbm>>
    %dma_wait3A_137 = arith.constant 0 : i32
    %dma_wait3A_138 = arith.constant 0 : i32
    %dma_wait3A_139 = tpu.memref_slice %arg8[%dma_wait3A_137, %dma_wait3A_138] : memref<64x896xf32, #tpu.memory_space<vmem>> -> memref<64x768xf32, #tpu.memory_space<vmem>>
    %dma_wait3A_140 = arith.constant 0 : i32
    %dma_wait3A_141 = tpu.memref_slice %arg2[%add3A_121, %dma_wait3A_140] : memref<8192x768xf32, #tpu.memory_space<hbm>> -> memref<64x768xf32, #tpu.memory_space<hbm>>
    tpu.wait_dma2 semaphore(%arg10 : memref<!tpu.dma_semaphore, #tpu.memory_space<semaphore_mem>>) src(%dma_wait3A_141 : memref<64x768xf32, #tpu.memory_space<hbm>>) dst(%dma_wait3A_139 : memref<64x768xf32, #tpu.memory_space<vmem>>)
    %add3A_142 = arith.constant 0 : i32
    %add3A_143 = vector.broadcast %add3A_142 : i32 to vector<16xi32>
    %add3A_144 = arith.addi %add3A_143, %iota3A : vector<16xi32>
    %get3A_145 = arith.constant 2 : i32
    %get3A_146 = arith.index_cast %get3A_145 : i32 to index
    %get3A_147 = arith.constant 0 : index
    %get3A_148 = tpu.vector_load %arg7[%get3A_146, %get3A_147] {strides = array<i32>} : memref<4x64xf32, #tpu.memory_space<vmem>>, vector<16xf32>,
    tpu.vector_store_idx %arg8[%add3A_144, %broadcast_in_dim3A_3], %get3A_148 : memref<64x896xf32, #tpu.memory_space<vmem>>[vector<16xi32>, vector<16xi32>], vector<16xf32>,
    %add3A_149 = arith.constant 16 : i32
    %add3A_150 = vector.broadcast %add3A_149 : i32 to vector<16xi32>
    %add3A_151 = arith.addi %add3A_150, %iota3A : vector<16xi32>
    %get3A_152 = arith.constant 2 : i32
    %get3A_153 = arith.index_cast %get3A_152 : i32 to index
    %get3A_154 = arith.constant 16 : index
    %get3A_155 = tpu.vector_load %arg7[%get3A_153, %get3A_154] {strides = array<i32>} : memref<4x64xf32, #tpu.memory_space<vmem>>, vector<16xf32>,
    tpu.vector_store_idx %arg8[%add3A_151, %broadcast_in_dim3A_3], %get3A_155 : memref<64x896xf32, #tpu.memory_space<vmem>>[vector<16xi32>, vector<16xi32>], vector<16xf32>,
    %add3A_156 = arith.constant 32 : i32
    %add3A_157 = vector.broadcast %add3A_156 : i32 to vector<16xi32>
    %add3A_158 = arith.addi %add3A_157, %iota3A : vector<16xi32>
    %get3A_159 = arith.constant 2 : i32
    %get3A_160 = arith.index_cast %get3A_159 : i32 to index
    %get3A_161 = arith.constant 32 : index
    %get3A_162 = tpu.vector_load %arg7[%get3A_160, %get3A_161] {strides = array<i32>} : memref<4x64xf32, #tpu.memory_space<vmem>>, vector<16xf32>,
    tpu.vector_store_idx %arg8[%add3A_158, %broadcast_in_dim3A_3], %get3A_162 : memref<64x896xf32, #tpu.memory_space<vmem>>[vector<16xi32>, vector<16xi32>], vector<16xf32>,
    %add3A_163 = arith.constant 48 : i32
    %add3A_164 = vector.broadcast %add3A_163 : i32 to vector<16xi32>
    %add3A_165 = arith.addi %add3A_164, %iota3A : vector<16xi32>
    %get3A_166 = arith.constant 2 : i32
    %get3A_167 = arith.index_cast %get3A_166 : i32 to index
    %get3A_168 = arith.constant 48 : index
    %get3A_169 = tpu.vector_load %arg7[%get3A_167, %get3A_168] {strides = array<i32>} : memref<4x64xf32, #tpu.memory_space<vmem>>, vector<16xf32>,
    tpu.vector_store_idx %arg8[%add3A_165, %broadcast_in_dim3A_3], %get3A_169 : memref<64x896xf32, #tpu.memory_space<vmem>>[vector<16xi32>, vector<16xi32>], vector<16xf32>,
    %dma_start3A_170 = arith.constant 2 : i32
    %dma_start3A_171 = arith.constant 0 : i32
    %dma_start3A_172 = tpu.memref_slice %arg6[%dma_start3A_170, %dma_start3A_171] : memref<4x64xi32, #tpu.memory_space<vmem>> -> memref<1x64xi32, #tpu.memory_space<vmem>>
    %dma_start3A_173 = tpu.memref_squeeze %dma_start3A_172 : memref<1x64xi32, #tpu.memory_space<vmem>> -> memref<64xi32, #tpu.memory_space<vmem>>
    %dma_start3A_174 = arith.constant 0 : i32
    %dma_start3A_175 = arith.constant 0 : i32
    %dma_start3A_176 = tpu.memref_slice %arg5[%dma_start3A_174, %dma_start3A_175] : memref<10240x896xf32, #tpu.memory_space<hbm>> -> memref<10240x896xf32, #tpu.memory_space<hbm>>
    tpu.enqueue_indirect_dma source(%arg8 : memref<64x896xf32, #tpu.memory_space<vmem>>) target(%dma_start3A_176 : memref<10240x896xf32, #tpu.memory_space<hbm>>) offsets(%dma_start3A_173 : memref<64xi32, #tpu.memory_space<vmem>>) semaphore(%arg11 : memref<!tpu.dma_semaphore, #tpu.memory_space<semaphore_mem>>)
    %dma_wait3A_177 = arith.constant 1 : i32
    %dma_wait3A_178 = arith.constant 0 : i32
    %dma_wait3A_179 = tpu.memref_slice %arg6[%dma_wait3A_177, %dma_wait3A_178] : memref<4x64xi32, #tpu.memory_space<vmem>> -> memref<1x64xi32, #tpu.memory_space<vmem>>
    %dma_wait3A_180 = tpu.memref_squeeze %dma_wait3A_179 : memref<1x64xi32, #tpu.memory_space<vmem>> -> memref<64xi32, #tpu.memory_space<vmem>>
    %dma_wait3A_181 = arith.constant 0 : i32
    %dma_wait3A_182 = arith.constant 0 : i32
    %dma_wait3A_183 = tpu.memref_slice %arg5[%dma_wait3A_181, %dma_wait3A_182] : memref<10240x896xf32, #tpu.memory_space<hbm>> -> memref<10240x896xf32, #tpu.memory_space<hbm>>
    tpu.wait_indirect_dma semaphore(%arg11 : memref<!tpu.dma_semaphore, #tpu.memory_space<semaphore_mem>>) src(%arg9 : memref<64x896xf32, #tpu.memory_space<vmem>>) dst(%dma_wait3A_183 : memref<10240x896xf32, #tpu.memory_space<hbm>>)
    %add3A_184 = arith.constant 192 : i32
    %add3A_185 = arith.addi %mul3A_2, %add3A_184 : i32
    %dma_start3A_186 = arith.constant 0 : i32
    %dma_start3A_187 = arith.constant 0 : i32
    %dma_start3A_188 = tpu.memref_slice %arg9[%dma_start3A_186, %dma_start3A_187] : memref<64x896xf32, #tpu.memory_space<vmem>> -> memref<64x768xf32, #tpu.memory_space<vmem>>
    %dma_start3A_189 = arith.constant 0 : i32
    %dma_start3A_190 = tpu.memref_slice %arg2[%add3A_185, %dma_start3A_189] : memref<8192x768xf32, #tpu.memory_space<hbm>> -> memref<64x768xf32, #tpu.memory_space<hbm>>
    %dma_start3A_191 = arith.constant 0 : i32
    %dma_start3A_192 = arith.constant 0 : i32
    %dma_start3A_193 = tpu.memref_slice %arg9[%dma_start3A_191, %dma_start3A_192] : memref<64x896xf32, #tpu.memory_space<vmem>> -> memref<64x768xf32, #tpu.memory_space<vmem>>
    %dma_start3A_194 = arith.constant 0 : i32
    %dma_start3A_195 = tpu.memref_slice %arg2[%add3A_185, %dma_start3A_194] : memref<8192x768xf32, #tpu.memory_space<hbm>> -> memref<64x768xf32, #tpu.memory_space<hbm>>
    tpu.enqueue_dma source(%dma_start3A_195 : memref<64x768xf32, #tpu.memory_space<hbm>>) target(%dma_start3A_193 : memref<64x768xf32, #tpu.memory_space<vmem>>) target_semaphore(%arg10 : memref<!tpu.dma_semaphore, #tpu.memory_space<semaphore_mem>>)
    %dma_wait3A_196 = arith.constant 0 : i32
    %dma_wait3A_197 = arith.constant 0 : i32
    %dma_wait3A_198 = tpu.memref_slice %arg9[%dma_wait3A_196, %dma_wait3A_197] : memref<64x896xf32, #tpu.memory_space<vmem>> -> memref<64x768xf32, #tpu.memory_space<vmem>>
    %dma_wait3A_199 = arith.constant 0 : i32
    %dma_wait3A_200 = tpu.memref_slice %arg2[%add3A_185, %dma_wait3A_199] : memref<8192x768xf32, #tpu.memory_space<hbm>> -> memref<64x768xf32, #tpu.memory_space<hbm>>
    %dma_wait3A_201 = arith.constant 0 : i32
    %dma_wait3A_202 = arith.constant 0 : i32
    %dma_wait3A_203 = tpu.memref_slice %arg9[%dma_wait3A_201, %dma_wait3A_202] : memref<64x896xf32, #tpu.memory_space<vmem>> -> memref<64x768xf32, #tpu.memory_space<vmem>>
    %dma_wait3A_204 = arith.constant 0 : i32
    %dma_wait3A_205 = tpu.memref_slice %arg2[%add3A_185, %dma_wait3A_204] : memref<8192x768xf32, #tpu.memory_space<hbm>> -> memref<64x768xf32, #tpu.memory_space<hbm>>
    tpu.wait_dma2 semaphore(%arg10 : memref<!tpu.dma_semaphore, #tpu.memory_space<semaphore_mem>>) src(%dma_wait3A_205 : memref<64x768xf32, #tpu.memory_space<hbm>>) dst(%dma_wait3A_203 : memref<64x768xf32, #tpu.memory_space<vmem>>)
    %add3A_206 = arith.constant 0 : i32
    %add3A_207 = vector.broadcast %add3A_206 : i32 to vector<16xi32>
    %add3A_208 = arith.addi %add3A_207, %iota3A : vector<16xi32>
    %get3A_209 = arith.constant 3 : i32
    %get3A_210 = arith.index_cast %get3A_209 : i32 to index
    %get3A_211 = arith.constant 0 : index
    %get3A_212 = tpu.vector_load %arg7[%get3A_210, %get3A_211] {strides = array<i32>} : memref<4x64xf32, #tpu.memory_space<vmem>>, vector<16xf32>,
    tpu.vector_store_idx %arg9[%add3A_208, %broadcast_in_dim3A_3], %get3A_212 : memref<64x896xf32, #tpu.memory_space<vmem>>[vector<16xi32>, vector<16xi32>], vector<16xf32>,
    %add3A_213 = arith.constant 16 : i32
    %add3A_214 = vector.broadcast %add3A_213 : i32 to vector<16xi32>
    %add3A_215 = arith.addi %add3A_214, %iota3A : vector<16xi32>
    %get3A_216 = arith.constant 3 : i32
    %get3A_217 = arith.index_cast %get3A_216 : i32 to index
    %get3A_218 = arith.constant 16 : index
    %get3A_219 = tpu.vector_load %arg7[%get3A_217, %get3A_218] {strides = array<i32>} : memref<4x64xf32, #tpu.memory_space<vmem>>, vector<16xf32>,
    tpu.vector_store_idx %arg9[%add3A_215, %broadcast_in_dim3A_3], %get3A_219 : memref<64x896xf32, #tpu.memory_space<vmem>>[vector<16xi32>, vector<16xi32>], vector<16xf32>,
    %add3A_220 = arith.constant 32 : i32
    %add3A_221 = vector.broadcast %add3A_220 : i32 to vector<16xi32>
    %add3A_222 = arith.addi %add3A_221, %iota3A : vector<16xi32>
    %get3A_223 = arith.constant 3 : i32
    %get3A_224 = arith.index_cast %get3A_223 : i32 to index
    %get3A_225 = arith.constant 32 : index
    %get3A_226 = tpu.vector_load %arg7[%get3A_224, %get3A_225] {strides = array<i32>} : memref<4x64xf32, #tpu.memory_space<vmem>>, vector<16xf32>,
    tpu.vector_store_idx %arg9[%add3A_222, %broadcast_in_dim3A_3], %get3A_226 : memref<64x896xf32, #tpu.memory_space<vmem>>[vector<16xi32>, vector<16xi32>], vector<16xf32>,
    %add3A_227 = arith.constant 48 : i32
    %add3A_228 = vector.broadcast %add3A_227 : i32 to vector<16xi32>
    %add3A_229 = arith.addi %add3A_228, %iota3A : vector<16xi32>
    %get3A_230 = arith.constant 3 : i32
    %get3A_231 = arith.index_cast %get3A_230 : i32 to index
    %get3A_232 = arith.constant 48 : index
    %get3A_233 = tpu.vector_load %arg7[%get3A_231, %get3A_232] {strides = array<i32>} : memref<4x64xf32, #tpu.memory_space<vmem>>, vector<16xf32>,
    tpu.vector_store_idx %arg9[%add3A_229, %broadcast_in_dim3A_3], %get3A_233 : memref<64x896xf32, #tpu.memory_space<vmem>>[vector<16xi32>, vector<16xi32>], vector<16xf32>,
    %dma_start3A_234 = arith.constant 3 : i32
    %dma_start3A_235 = arith.constant 0 : i32
    %dma_start3A_236 = tpu.memref_slice %arg6[%dma_start3A_234, %dma_start3A_235] : memref<4x64xi32, #tpu.memory_space<vmem>> -> memref<1x64xi32, #tpu.memory_space<vmem>>
    %dma_start3A_237 = tpu.memref_squeeze %dma_start3A_236 : memref<1x64xi32, #tpu.memory_space<vmem>> -> memref<64xi32, #tpu.memory_space<vmem>>
    %dma_start3A_238 = arith.constant 0 : i32
    %dma_start3A_239 = arith.constant 0 : i32
    %dma_start3A_240 = tpu.memref_slice %arg5[%dma_start3A_238, %dma_start3A_239] : memref<10240x896xf32, #tpu.memory_space<hbm>> -> memref<10240x896xf32, #tpu.memory_space<hbm>>
    tpu.enqueue_indirect_dma source(%arg9 : memref<64x896xf32, #tpu.memory_space<vmem>>) target(%dma_start3A_240 : memref<10240x896xf32, #tpu.memory_space<hbm>>) offsets(%dma_start3A_237 : memref<64xi32, #tpu.memory_space<vmem>>) semaphore(%arg11 : memref<!tpu.dma_semaphore, #tpu.memory_space<semaphore_mem>>)
    %dma_wait3A_241 = arith.constant 2 : i32
    %dma_wait3A_242 = arith.constant 0 : i32
    %dma_wait3A_243 = tpu.memref_slice %arg6[%dma_wait3A_241, %dma_wait3A_242] : memref<4x64xi32, #tpu.memory_space<vmem>> -> memref<1x64xi32, #tpu.memory_space<vmem>>
    %dma_wait3A_244 = tpu.memref_squeeze %dma_wait3A_243 : memref<1x64xi32, #tpu.memory_space<vmem>> -> memref<64xi32, #tpu.memory_space<vmem>>
    %dma_wait3A_245 = arith.constant 0 : i32
    %dma_wait3A_246 = arith.constant 0 : i32
    %dma_wait3A_247 = tpu.memref_slice %arg5[%dma_wait3A_245, %dma_wait3A_246] : memref<10240x896xf32, #tpu.memory_space<hbm>> -> memref<10240x896xf32, #tpu.memory_space<hbm>>
    tpu.wait_indirect_dma semaphore(%arg11 : memref<!tpu.dma_semaphore, #tpu.memory_space<semaphore_mem>>) src(%arg8 : memref<64x896xf32, #tpu.memory_space<vmem>>) dst(%dma_wait3A_247 : memref<10240x896xf32, #tpu.memory_space<hbm>>)
    %dma_wait3A_248 = arith.constant 3 : i32
    %dma_wait3A_249 = arith.constant 0 : i32
    %dma_wait3A_250 = tpu.memref_slice %arg6[%dma_wait3A_248, %dma_wait3A_249] : memref<4x64xi32, #tpu.memory_space<vmem>> -> memref<1x64xi32, #tpu.memory_space<vmem>>
    %dma_wait3A_251 = tpu.memref_squeeze %dma_wait3A_250 : memref<1x64xi32, #tpu.memory_space<vmem>> -> memref<64xi32, #tpu.memory_space<vmem>>
    %dma_wait3A_252 = arith.constant 0 : i32
    %dma_wait3A_253 = arith.constant 0 : i32
    %dma_wait3A_254 = tpu.memref_slice %arg5[%dma_wait3A_252, %dma_wait3A_253] : memref<10240x896xf32, #tpu.memory_space<hbm>> -> memref<10240x896xf32, #tpu.memory_space<hbm>>
    tpu.wait_indirect_dma semaphore(%arg11 : memref<!tpu.dma_semaphore, #tpu.memory_space<semaphore_mem>>) src(%arg9 : memref<64x896xf32, #tpu.memory_space<vmem>>) dst(%dma_wait3A_254 : memref<10240x896xf32, #tpu.memory_space<hbm>>)
    return
  }
}

module attributes {stable_mosaic.version = 14 : i64} {
  func.func @_gate_body(%arg0: i32, %arg1: memref<1024x768xf32, #tpu.memory_space<vmem>>, %arg2: memref<8x768xf32, #tpu.memory_space<vmem>>, %arg3: memref<1024x8xf32, #tpu.memory_space<vmem>>, %arg4: memref<1024x1xi32, #tpu.memory_space<vmem>>, %arg5: memref<1024x1xf32, #tpu.memory_space<vmem>>, %arg6: memref<4x1x8xi32, #tpu.memory_space<vmem>>) attributes {dimension_semantics = [#tpu.dimension_semantics<arbitrary>], iteration_bounds = array<i64: 8>, scalar_prefetch = 0 : i64, scratch_operands = 0 : i64, tpu.core_type = #tpu.core_type<tc>, window_params = [{transform_indices = @transform_0, window_bounds = array<i64: 1024, 768>}, {pipeline_mode = #tpu.pipeline_mode<synchronous>, transform_indices = @transform_1, window_bounds = array<i64: 8, 768>}, {transform_indices = @transform_2, window_bounds = array<i64: 1024, 8>}, {transform_indices = @transform_3, window_bounds = array<i64: 1024, 1>}, {transform_indices = @transform_4, window_bounds = array<i64: 1024, 1>}, {transform_indices = @transform_5, window_bounds = array<i64: 4, 1, 8>}]} {
    %get3A = arith.constant 0 : index
    %get3A_0 = arith.constant 0 : index
    %get3A_1 = vector.load %arg1[%get3A, %get3A_0] : memref<1024x768xf32, #tpu.memory_space<vmem>>, vector<1024x768xf32>
    %get3A_2 = arith.constant 0 : index
    %get3A_3 = arith.constant 0 : index
    %get3A_4 = vector.load %arg2[%get3A_2, %get3A_3] : memref<8x768xf32, #tpu.memory_space<vmem>>, vector<8x768xf32>
    %dot_general3A = arith.constant dense<0.000000e+00> : vector<1024x8xf32>
    %dot_general3A_5 = tpu.matmul %get3A_1, %get3A_4, %dot_general3A {dimension_numbers = #tpu.dot_dimension_numbers<[1], [1], [0], [0], [0, 0, 1, 0], [], []>, transpose_lhs_hint = false} : vector<1024x768xf32>, vector<8x768xf32>, vector<1024x8xf32> -> vector<1024x8xf32>
    %reduce_max3A = arith.constant dense<0xFF800000> : vector<1024xf32>
    %reduce_max3A_6 = vector.multi_reduction <maximumf>, %dot_general3A_5, %reduce_max3A [1] : vector<1024x8xf32> to vector<1024xf32>
    %broadcast_in_dim3A = vector.shape_cast %reduce_max3A_6 : vector<1024xf32> to vector<1024x1xf32>
    %sub3A = vector.broadcast %broadcast_in_dim3A : vector<1024x1xf32> to vector<1024x8xf32>
    %sub3A_7 = arith.subf %dot_general3A_5, %sub3A : vector<1024x8xf32>
    %exp3A = math.exp %sub3A_7 : vector<1024x8xf32>
    %reduce_sum3A = arith.constant dense<0.000000e+00> : vector<1024xf32>
    %reduce_sum3A_8 = vector.multi_reduction <add>, %exp3A, %reduce_sum3A [1] : vector<1024x8xf32> to vector<1024xf32>
    %broadcast_in_dim3A_9 = vector.shape_cast %reduce_sum3A_8 : vector<1024xf32> to vector<1024x1xf32>
    %div3A = vector.broadcast %broadcast_in_dim3A_9 : vector<1024x1xf32> to vector<1024x8xf32>
    %div3A_10 = arith.divf %exp3A, %div3A : vector<1024x8xf32>
    %swap3A = arith.constant 0 : index
    %swap3A_11 = arith.constant 0 : index
    %swap3A_12 = vector.load %arg3[%swap3A, %swap3A_11] : memref<1024x8xf32, #tpu.memory_space<vmem>>, vector<1024x8xf32>
    tpu.vector_store %arg3[%swap3A, %swap3A_11], %div3A_10 {strides = array<i32>} : memref<1024x8xf32, #tpu.memory_space<vmem>>, vector<1024x8xf32>,
    %reduce_max3A_13 = arith.constant dense<0xFF800000> : vector<1024xf32>
    %reduce_max3A_14 = vector.multi_reduction <maximumf>, %div3A_10, %reduce_max3A_13 [1] : vector<1024x8xf32> to vector<1024xf32>
    %broadcast_in_dim3A_15 = vector.shape_cast %reduce_max3A_14 : vector<1024xf32> to vector<1024x1xf32>
    %swap3A_16 = arith.constant 0 : index
    %swap3A_17 = arith.constant 0 : index
    %swap3A_18 = vector.load %arg5[%swap3A_16, %swap3A_17] : memref<1024x1xf32, #tpu.memory_space<vmem>>, vector<1024x1xf32>
    tpu.vector_store %arg5[%swap3A_16, %swap3A_17], %broadcast_in_dim3A_15 {strides = array<i32>} : memref<1024x1xf32, #tpu.memory_space<vmem>>, vector<1024x1xf32>,
    %iota3A = tpu.iota {dimensions = array<i32: 1>} : vector<1024x8xi32>
    %ge3A = vector.broadcast %broadcast_in_dim3A_15 : vector<1024x1xf32> to vector<1024x8xf32>
    %ge3A_19 = arith.cmpf oge, %div3A_10, %ge3A : vector<1024x8xf32>
    %jit3A = arith.constant 8 : i32
    %broadcast_in_dim3A_20 = vector.broadcast %jit3A : i32 to vector<1024x8xi32>
    %select_n3A = arith.select %ge3A_19, %iota3A, %broadcast_in_dim3A_20 : vector<1024x8xi1>, vector<1024x8xi32>
    %reduce_min3A = arith.constant dense<2147483647> : vector<1024xi32>
    %reduce_min3A_21 = vector.multi_reduction <minsi>, %select_n3A, %reduce_min3A [1] : vector<1024x8xi32> to vector<1024xi32>
    %broadcast_in_dim3A_22 = vector.shape_cast %reduce_min3A_21 : vector<1024xi32> to vector<1024x1xi32>
    %swap3A_23 = arith.constant 0 : index
    %swap3A_24 = arith.constant 0 : index
    %swap3A_25 = vector.load %arg4[%swap3A_23, %swap3A_24] : memref<1024x1xi32, #tpu.memory_space<vmem>>, vector<1024x1xi32>
    tpu.vector_store %arg4[%swap3A_23, %swap3A_24], %broadcast_in_dim3A_22 {strides = array<i32>} : memref<1024x1xi32, #tpu.memory_space<vmem>>, vector<1024x1xi32>,
    %eq3A = vector.broadcast %broadcast_in_dim3A_22 : vector<1024x1xi32> to vector<1024x8xi32>
    %eq3A_26 = arith.cmpi eq, %iota3A, %eq3A : vector<1024x8xi32>
    %convert_element_type3A = arith.extui %eq3A_26 : vector<1024x8xi1> to vector<1024x8xi32>
    %convert_element_type3A_27 = arith.sitofp %convert_element_type3A : vector<1024x8xi32> to vector<1024x8xf32>
    %reshape3A = vector.shape_cast %convert_element_type3A_27 : vector<1024x8xf32> to vector<4x256x8xf32>
    %reduce_sum3A_28 = arith.constant dense<0.000000e+00> : vector<4x8xf32>
    %reduce_sum3A_29 = vector.multi_reduction <add>, %reshape3A, %reduce_sum3A_28 [1] : vector<4x256x8xf32> to vector<4x8xf32>
    %reshape3A_30 = vector.shape_cast %reduce_sum3A_29 : vector<4x8xf32> to vector<4x1x8xf32>
    %convert_element_type3A_31 = arith.fptosi %reshape3A_30 : vector<4x1x8xf32> to vector<4x1x8xi32>
    %swap3A_32 = arith.constant 0 : index
    %swap3A_33 = arith.constant 0 : index
    %swap3A_34 = arith.constant 0 : index
    %swap3A_35 = vector.load %arg6[%swap3A_32, %swap3A_33, %swap3A_34] : memref<4x1x8xi32, #tpu.memory_space<vmem>>, vector<4x1x8xi32>
    tpu.vector_store %arg6[%swap3A_32, %swap3A_33, %swap3A_34], %convert_element_type3A_31 {strides = array<i32>} : memref<4x1x8xi32, #tpu.memory_space<vmem>>, vector<4x1x8xi32>,
    return
  }
  func.func @transform_0(%arg0: i32) -> (i32, i32) {
    %c0_i32 = arith.constant 0 : i32
    %c0_i32_0 = arith.constant 0 : i32
    return %arg0, %c0_i32 : i32, i32
  }
  func.func @transform_1(%arg0: i32) -> (i32, i32) {
    %c0_i32 = arith.constant 0 : i32
    %c0_i32_0 = arith.constant 0 : i32
    %c0_i32_1 = arith.constant 0 : i32
    return %c0_i32, %c0_i32_0 : i32, i32
  }
  func.func @transform_2(%arg0: i32) -> (i32, i32) {
    %c0_i32 = arith.constant 0 : i32
    %c0_i32_0 = arith.constant 0 : i32
    return %arg0, %c0_i32 : i32, i32
  }
  func.func @transform_3(%arg0: i32) -> (i32, i32) {
    %c0_i32 = arith.constant 0 : i32
    %c0_i32_0 = arith.constant 0 : i32
    return %arg0, %c0_i32 : i32, i32
  }
  func.func @transform_4(%arg0: i32) -> (i32, i32) {
    %c0_i32 = arith.constant 0 : i32
    %c0_i32_0 = arith.constant 0 : i32
    return %arg0, %c0_i32 : i32, i32
  }
  func.func @transform_5(%arg0: i32) -> (i32, i32, i32) {
    %c0_i32 = arith.constant 0 : i32
    %c0_i32_0 = arith.constant 0 : i32
    %c0_i32_1 = arith.constant 0 : i32
    return %arg0, %c0_i32, %c0_i32_0 : i32, i32, i32
  }
}

module attributes {stable_mosaic.version = 14 : i64} {
  func.func @_route_body(%arg0: i32, %arg1: memref<256x1xi32, #tpu.memory_space<vmem>>, %arg2: memref<32x1x8xi32, #tpu.memory_space<vmem>>, %arg3: memref<256x1xi32, #tpu.memory_space<vmem>>, %arg4: memref<1x1x48xi32, #tpu.memory_space<vmem>>) attributes {dimension_semantics = [#tpu.dimension_semantics<arbitrary>], iteration_bounds = array<i64: 32>, scalar_prefetch = 0 : i64, scratch_operands = 0 : i64, tpu.core_type = #tpu.core_type<tc>, window_params = [{transform_indices = @transform_0, window_bounds = array<i64: 256, 1>}, {pipeline_mode = #tpu.pipeline_mode<synchronous>, transform_indices = @transform_1, window_bounds = array<i64: 32, 1, 8>}, {transform_indices = @transform_2, window_bounds = array<i64: 256, 1>}, {pipeline_mode = #tpu.pipeline_mode<synchronous>, transform_indices = @transform_3, window_bounds = array<i64: 1, 1, 48>}]} {
    %get3A = arith.constant 0 : index
    %get3A_0 = arith.constant 0 : index
    %get3A_1 = arith.constant 0 : index
    %get3A_2 = vector.load %arg2[%get3A, %get3A_0, %get3A_1] : memref<32x1x8xi32, #tpu.memory_space<vmem>>, vector<32x1x8xi32>
    %reshape3A = vector.shape_cast %get3A_2 : vector<32x1x8xi32> to vector<32x8xi32>
    %convert_element_type3A = arith.sitofp %reshape3A : vector<32x8xi32> to vector<32x8xf32>
    %iota3A = tpu.iota {dimensions = array<i32: 0>} : vector<32x8xi32>
    %lt3A = vector.broadcast %arg0 : i32 to vector<32x8xi32>
    %lt3A_3 = arith.cmpi slt, %iota3A, %lt3A : vector<32x8xi32>
    %jit3A = arith.constant 0.000000e+00 : f32
    %broadcast_in_dim3A = vector.broadcast %jit3A : f32 to vector<32x8xf32>
    %select_n3A = arith.select %lt3A_3, %convert_element_type3A, %broadcast_in_dim3A : vector<32x8xi1>, vector<32x8xf32>
    %reduce_sum3A = arith.constant dense<0.000000e+00> : vector<8xf32>
    %reduce_sum3A_4 = vector.multi_reduction <add>, %select_n3A, %reduce_sum3A [0] : vector<32x8xf32> to vector<8xf32>
    %broadcast_in_dim3A_5 = vector.shape_cast %reduce_sum3A_4 : vector<8xf32> to vector<1x8xf32>
    %reduce_sum3A_6 = arith.constant dense<0.000000e+00> : vector<8xf32>
    %reduce_sum3A_7 = vector.multi_reduction <add>, %convert_element_type3A, %reduce_sum3A_6 [0] : vector<32x8xf32> to vector<8xf32>
    %broadcast_in_dim3A_8 = vector.shape_cast %reduce_sum3A_7 : vector<8xf32> to vector<1x8xf32>
    %add3A = arith.constant 2.550000e+02 : f32
    %add3A_9 = vector.broadcast %add3A : f32 to vector<1x8xf32>
    %add3A_10 = arith.addf %broadcast_in_dim3A_8, %add3A_9 : vector<1x8xf32>
    %div3A = arith.constant 2.560000e+02 : f32
    %div3A_11 = vector.broadcast %div3A : f32 to vector<1x8xf32>
    %div3A_12 = arith.divf %add3A_10, %div3A_11 : vector<1x8xf32>
    %floor3A = math.floor %div3A_12 : vector<1x8xf32>
    %mul3A = arith.constant 2.560000e+02 : f32
    %mul3A_13 = vector.broadcast %mul3A : f32 to vector<1x8xf32>
    %mul3A_14 = arith.mulf %floor3A, %mul3A_13 : vector<1x8xf32>
    %iota3A_15 = tpu.iota {dimensions = array<i32: 0>} : vector<8x8xi32>
    %iota3A_16 = tpu.iota {dimensions = array<i32: 1>} : vector<8x8xi32>
    %reshape3A_17 = vector.shape_cast %mul3A_14 : vector<1x8xf32> to vector<8x1xf32>
    %broadcast_in_dim3A_18 = vector.shape_cast %reshape3A_17 : vector<8x1xf32> to vector<8x1xf32>
    %broadcast_in_dim3A_19 = vector.broadcast %broadcast_in_dim3A_18 : vector<8x1xf32> to vector<8x8xf32>
    %lt3A_20 = arith.cmpi slt, %iota3A_15, %iota3A_16 : vector<8x8xi32>
    %jit3A_21 = arith.constant 0.000000e+00 : f32
    %broadcast_in_dim3A_22 = vector.broadcast %jit3A_21 : f32 to vector<8x8xf32>
    %select_n3A_23 = arith.select %lt3A_20, %broadcast_in_dim3A_19, %broadcast_in_dim3A_22 : vector<8x8xi1>, vector<8x8xf32>
    %reduce_sum3A_24 = arith.constant dense<0.000000e+00> : vector<8xf32>
    %reduce_sum3A_25 = vector.multi_reduction <add>, %select_n3A_23, %reduce_sum3A_24 [0] : vector<8x8xf32> to vector<8xf32>
    %broadcast_in_dim3A_26 = vector.shape_cast %reduce_sum3A_25 : vector<8xf32> to vector<1x8xf32>
    %add3A_27 = arith.addf %broadcast_in_dim3A_26, %broadcast_in_dim3A_5 : vector<1x8xf32>
    %get3A_28 = arith.constant 0 : index
    %get3A_29 = arith.constant 0 : index
    %get3A_30 = vector.load %arg1[%get3A_28, %get3A_29] : memref<256x1xi32, #tpu.memory_space<vmem>>, vector<256x1xi32>
    %iota3A_31 = tpu.iota {dimensions = array<i32: 1>} : vector<256x8xi32>
    %eq3A = vector.broadcast %get3A_30 : vector<256x1xi32> to vector<256x8xi32>
    %eq3A_32 = arith.cmpi eq, %iota3A_31, %eq3A : vector<256x8xi32>
    %convert_element_type3A_33 = arith.extui %eq3A_32 : vector<256x8xi1> to vector<256x8xi32>
    %convert_element_type3A_34 = arith.sitofp %convert_element_type3A_33 : vector<256x8xi32> to vector<256x8xf32>
    %iota3A_35 = tpu.iota {dimensions = array<i32: 0>} : vector<256x256xi32>
    %iota3A_36 = tpu.iota {dimensions = array<i32: 1>} : vector<256x256xi32>
    %le3A = arith.cmpi sle, %iota3A_36, %iota3A_35 : vector<256x256xi32>
    %convert_element_type3A_37 = arith.extui %le3A : vector<256x256xi1> to vector<256x256xi32>
    %convert_element_type3A_38 = arith.sitofp %convert_element_type3A_37 : vector<256x256xi32> to vector<256x256xf32>
    %dot_general3A = arith.constant dense<0.000000e+00> : vector<256x8xf32>
    %dot_general3A_39 = tpu.matmul %convert_element_type3A_38, %convert_element_type3A_34, %dot_general3A {dimension_numbers = #tpu.dot_dimension_numbers<[1], [0], [0], [1], [0, 0, 1, 1], [], []>, transpose_lhs_hint = false} : vector<256x256xf32>, vector<256x8xf32>, vector<256x8xf32> -> vector<256x8xf32>
    %mul3A_40 = arith.mulf %convert_element_type3A_34, %dot_general3A_39 : vector<256x8xf32>
    %reduce_sum3A_41 = arith.constant dense<0.000000e+00> : vector<256xf32>
    %reduce_sum3A_42 = vector.multi_reduction <add>, %mul3A_40, %reduce_sum3A_41 [1] : vector<256x8xf32> to vector<256xf32>
    %broadcast_in_dim3A_43 = vector.shape_cast %reduce_sum3A_42 : vector<256xf32> to vector<256x1xf32>
    %sub3A = arith.constant 1.000000e+00 : f32
    %sub3A_44 = vector.broadcast %sub3A : f32 to vector<256x1xf32>
    %sub3A_45 = arith.subf %broadcast_in_dim3A_43, %sub3A_44 : vector<256x1xf32>
    %mul3A_46 = vector.broadcast %add3A_27 : vector<1x8xf32> to vector<256x8xf32>
    %mul3A_47 = arith.mulf %convert_element_type3A_34, %mul3A_46 : vector<256x8xf32>
    %reduce_sum3A_48 = arith.constant dense<0.000000e+00> : vector<256xf32>
    %reduce_sum3A_49 = vector.multi_reduction <add>, %mul3A_47, %reduce_sum3A_48 [1] : vector<256x8xf32> to vector<256xf32>
    %broadcast_in_dim3A_50 = vector.shape_cast %reduce_sum3A_49 : vector<256xf32> to vector<256x1xf32>
    %add3A_51 = arith.addf %broadcast_in_dim3A_50, %sub3A_45 : vector<256x1xf32>
    %convert_element_type3A_52 = arith.fptosi %add3A_51 : vector<256x1xf32> to vector<256x1xi32>
    %swap3A = arith.constant 0 : index
    %swap3A_53 = arith.constant 0 : index
    %swap3A_54 = vector.load %arg3[%swap3A, %swap3A_53] : memref<256x1xi32, #tpu.memory_space<vmem>>, vector<256x1xi32>
    tpu.vector_store %arg3[%swap3A, %swap3A_53], %convert_element_type3A_52 {strides = array<i32>} : memref<256x1xi32, #tpu.memory_space<vmem>>, vector<256x1xi32>,
    %div3A_55 = arith.constant 2.560000e+02 : f32
    %div3A_56 = vector.broadcast %div3A_55 : f32 to vector<1x8xf32>
    %div3A_57 = arith.divf %broadcast_in_dim3A_26, %div3A_56 : vector<1x8xf32>
    %convert_element_type3A_58 = arith.fptosi %div3A_57 : vector<1x8xf32> to vector<1x8xi32>
    %convert_element_type3A_59 = arith.fptosi %floor3A : vector<1x8xf32> to vector<1x8xi32>
    %iota3A_60 = tpu.iota {dimensions = array<i32: 1>} : vector<1x8xi32>
    %iota3A_61 = tpu.iota {dimensions = array<i32: 2>} : vector<1x1x48xi32>
    %broadcast_in_dim3A_62 = arith.constant 0 : i32
    %broadcast_in_dim3A_63 = vector.broadcast %broadcast_in_dim3A_62 : i32 to vector<1x1x48xi32>
    %eq3A_64 = arith.constant 0 : i32
    %eq3A_65 = vector.broadcast %eq3A_64 : i32 to vector<1x8xi32>
    %eq3A_66 = arith.cmpi eq, %iota3A_60, %eq3A_65 : vector<1x8xi32>
    %jit3A_67 = arith.constant 0 : i32
    %broadcast_in_dim3A_68 = vector.broadcast %jit3A_67 : i32 to vector<1x8xi32>
    %select_n3A_69 = arith.select %eq3A_66, %convert_element_type3A_58, %broadcast_in_dim3A_68 : vector<1x8xi1>, vector<1x8xi32>
    %reduce_sum3A_70 = vector.shape_cast %select_n3A_69 : vector<1x8xi32> to vector<1x1x8xi32>
    %reduce_sum3A_71 = arith.constant dense<0> : vector<1xi32>
    %reduce_sum3A_72 = vector.multi_reduction <add>, %reduce_sum3A_70, %reduce_sum3A_71 [1, 2] : vector<1x1x8xi32> to vector<1xi32>
    %reduce_sum3A_73 = vector.shape_cast %reduce_sum3A_72 : vector<1xi32> to vector<1x1x1xi32>
    %reduce_sum3A_74 = vector.extract %reduce_sum3A_73[0, 0, 0] : i32 from vector<1x1x1xi32>
    %eq3A_75 = arith.constant 0 : i32
    %eq3A_76 = vector.broadcast %eq3A_75 : i32 to vector<1x8xi32>
    %eq3A_77 = arith.cmpi eq, %iota3A_60, %eq3A_76 : vector<1x8xi32>
    %jit3A_78 = arith.constant 0 : i32
    %broadcast_in_dim3A_79 = vector.broadcast %jit3A_78 : i32 to vector<1x8xi32>
    %select_n3A_80 = arith.select %eq3A_77, %convert_element_type3A_59, %broadcast_in_dim3A_79 : vector<1x8xi1>, vector<1x8xi32>
    %reduce_sum3A_81 = vector.shape_cast %select_n3A_80 : vector<1x8xi32> to vector<1x1x8xi32>
    %reduce_sum3A_82 = arith.constant dense<0> : vector<1xi32>
    %reduce_sum3A_83 = vector.multi_reduction <add>, %reduce_sum3A_81, %reduce_sum3A_82 [1, 2] : vector<1x1x8xi32> to vector<1xi32>
    %reduce_sum3A_84 = vector.shape_cast %reduce_sum3A_83 : vector<1xi32> to vector<1x1x1xi32>
    %reduce_sum3A_85 = vector.extract %reduce_sum3A_84[0, 0, 0] : i32 from vector<1x1x1xi32>
    %ge3A = vector.broadcast %reduce_sum3A_74 : i32 to vector<1x1x48xi32>
    %ge3A_86 = arith.cmpi sge, %iota3A_61, %ge3A : vector<1x1x48xi32>
    %add3A_87 = arith.addi %reduce_sum3A_74, %reduce_sum3A_85 : i32
    %lt3A_88 = vector.broadcast %add3A_87 : i32 to vector<1x1x48xi32>
    %lt3A_89 = arith.cmpi slt, %iota3A_61, %lt3A_88 : vector<1x1x48xi32>
    %and3A = arith.andi %ge3A_86, %lt3A_89 : vector<1x1x48xi1>
    %jit3A_90 = arith.constant 0 : i32
    %broadcast_in_dim3A_91 = vector.broadcast %jit3A_90 : i32 to vector<1x1x48xi32>
    %select_n3A_92 = arith.select %and3A, %broadcast_in_dim3A_91, %broadcast_in_dim3A_63 : vector<1x1x48xi1>, vector<1x1x48xi32>
    %eq3A_93 = arith.constant 1 : i32
    %eq3A_94 = vector.broadcast %eq3A_93 : i32 to vector<1x8xi32>
    %eq3A_95 = arith.cmpi eq, %iota3A_60, %eq3A_94 : vector<1x8xi32>
    %jit3A_96 = arith.constant 0 : i32
    %broadcast_in_dim3A_97 = vector.broadcast %jit3A_96 : i32 to vector<1x8xi32>
    %select_n3A_98 = arith.select %eq3A_95, %convert_element_type3A_58, %broadcast_in_dim3A_97 : vector<1x8xi1>, vector<1x8xi32>
    %reduce_sum3A_99 = vector.shape_cast %select_n3A_98 : vector<1x8xi32> to vector<1x1x8xi32>
    %reduce_sum3A_100 = arith.constant dense<0> : vector<1xi32>
    %reduce_sum3A_101 = vector.multi_reduction <add>, %reduce_sum3A_99, %reduce_sum3A_100 [1, 2] : vector<1x1x8xi32> to vector<1xi32>
    %reduce_sum3A_102 = vector.shape_cast %reduce_sum3A_101 : vector<1xi32> to vector<1x1x1xi32>
    %reduce_sum3A_103 = vector.extract %reduce_sum3A_102[0, 0, 0] : i32 from vector<1x1x1xi32>
    %eq3A_104 = arith.constant 1 : i32
    %eq3A_105 = vector.broadcast %eq3A_104 : i32 to vector<1x8xi32>
    %eq3A_106 = arith.cmpi eq, %iota3A_60, %eq3A_105 : vector<1x8xi32>
    %jit3A_107 = arith.constant 0 : i32
    %broadcast_in_dim3A_108 = vector.broadcast %jit3A_107 : i32 to vector<1x8xi32>
    %select_n3A_109 = arith.select %eq3A_106, %convert_element_type3A_59, %broadcast_in_dim3A_108 : vector<1x8xi1>, vector<1x8xi32>
    %reduce_sum3A_110 = vector.shape_cast %select_n3A_109 : vector<1x8xi32> to vector<1x1x8xi32>
    %reduce_sum3A_111 = arith.constant dense<0> : vector<1xi32>
    %reduce_sum3A_112 = vector.multi_reduction <add>, %reduce_sum3A_110, %reduce_sum3A_111 [1, 2] : vector<1x1x8xi32> to vector<1xi32>
    %reduce_sum3A_113 = vector.shape_cast %reduce_sum3A_112 : vector<1xi32> to vector<1x1x1xi32>
    %reduce_sum3A_114 = vector.extract %reduce_sum3A_113[0, 0, 0] : i32 from vector<1x1x1xi32>
    %ge3A_115 = vector.broadcast %reduce_sum3A_103 : i32 to vector<1x1x48xi32>
    %ge3A_116 = arith.cmpi sge, %iota3A_61, %ge3A_115 : vector<1x1x48xi32>
    %add3A_117 = arith.addi %reduce_sum3A_103, %reduce_sum3A_114 : i32
    %lt3A_118 = vector.broadcast %add3A_117 : i32 to vector<1x1x48xi32>
    %lt3A_119 = arith.cmpi slt, %iota3A_61, %lt3A_118 : vector<1x1x48xi32>
    %and3A_120 = arith.andi %ge3A_116, %lt3A_119 : vector<1x1x48xi1>
    %jit3A_121 = arith.constant 1 : i32
    %broadcast_in_dim3A_122 = vector.broadcast %jit3A_121 : i32 to vector<1x1x48xi32>
    %select_n3A_123 = arith.select %and3A_120, %broadcast_in_dim3A_122, %select_n3A_92 : vector<1x1x48xi1>, vector<1x1x48xi32>
    %eq3A_124 = arith.constant 2 : i32
    %eq3A_125 = vector.broadcast %eq3A_124 : i32 to vector<1x8xi32>
    %eq3A_126 = arith.cmpi eq, %iota3A_60, %eq3A_125 : vector<1x8xi32>
    %jit3A_127 = arith.constant 0 : i32
    %broadcast_in_dim3A_128 = vector.broadcast %jit3A_127 : i32 to vector<1x8xi32>
    %select_n3A_129 = arith.select %eq3A_126, %convert_element_type3A_58, %broadcast_in_dim3A_128 : vector<1x8xi1>, vector<1x8xi32>
    %reduce_sum3A_130 = vector.shape_cast %select_n3A_129 : vector<1x8xi32> to vector<1x1x8xi32>
    %reduce_sum3A_131 = arith.constant dense<0> : vector<1xi32>
    %reduce_sum3A_132 = vector.multi_reduction <add>, %reduce_sum3A_130, %reduce_sum3A_131 [1, 2] : vector<1x1x8xi32> to vector<1xi32>
    %reduce_sum3A_133 = vector.shape_cast %reduce_sum3A_132 : vector<1xi32> to vector<1x1x1xi32>
    %reduce_sum3A_134 = vector.extract %reduce_sum3A_133[0, 0, 0] : i32 from vector<1x1x1xi32>
    %eq3A_135 = arith.constant 2 : i32
    %eq3A_136 = vector.broadcast %eq3A_135 : i32 to vector<1x8xi32>
    %eq3A_137 = arith.cmpi eq, %iota3A_60, %eq3A_136 : vector<1x8xi32>
    %jit3A_138 = arith.constant 0 : i32
    %broadcast_in_dim3A_139 = vector.broadcast %jit3A_138 : i32 to vector<1x8xi32>
    %select_n3A_140 = arith.select %eq3A_137, %convert_element_type3A_59, %broadcast_in_dim3A_139 : vector<1x8xi1>, vector<1x8xi32>
    %reduce_sum3A_141 = vector.shape_cast %select_n3A_140 : vector<1x8xi32> to vector<1x1x8xi32>
    %reduce_sum3A_142 = arith.constant dense<0> : vector<1xi32>
    %reduce_sum3A_143 = vector.multi_reduction <add>, %reduce_sum3A_141, %reduce_sum3A_142 [1, 2] : vector<1x1x8xi32> to vector<1xi32>
    %reduce_sum3A_144 = vector.shape_cast %reduce_sum3A_143 : vector<1xi32> to vector<1x1x1xi32>
    %reduce_sum3A_145 = vector.extract %reduce_sum3A_144[0, 0, 0] : i32 from vector<1x1x1xi32>
    %ge3A_146 = vector.broadcast %reduce_sum3A_134 : i32 to vector<1x1x48xi32>
    %ge3A_147 = arith.cmpi sge, %iota3A_61, %ge3A_146 : vector<1x1x48xi32>
    %add3A_148 = arith.addi %reduce_sum3A_134, %reduce_sum3A_145 : i32
    %lt3A_149 = vector.broadcast %add3A_148 : i32 to vector<1x1x48xi32>
    %lt3A_150 = arith.cmpi slt, %iota3A_61, %lt3A_149 : vector<1x1x48xi32>
    %and3A_151 = arith.andi %ge3A_147, %lt3A_150 : vector<1x1x48xi1>
    %jit3A_152 = arith.constant 2 : i32
    %broadcast_in_dim3A_153 = vector.broadcast %jit3A_152 : i32 to vector<1x1x48xi32>
    %select_n3A_154 = arith.select %and3A_151, %broadcast_in_dim3A_153, %select_n3A_123 : vector<1x1x48xi1>, vector<1x1x48xi32>
    %eq3A_155 = arith.constant 3 : i32
    %eq3A_156 = vector.broadcast %eq3A_155 : i32 to vector<1x8xi32>
    %eq3A_157 = arith.cmpi eq, %iota3A_60, %eq3A_156 : vector<1x8xi32>
    %jit3A_158 = arith.constant 0 : i32
    %broadcast_in_dim3A_159 = vector.broadcast %jit3A_158 : i32 to vector<1x8xi32>
    %select_n3A_160 = arith.select %eq3A_157, %convert_element_type3A_58, %broadcast_in_dim3A_159 : vector<1x8xi1>, vector<1x8xi32>
    %reduce_sum3A_161 = vector.shape_cast %select_n3A_160 : vector<1x8xi32> to vector<1x1x8xi32>
    %reduce_sum3A_162 = arith.constant dense<0> : vector<1xi32>
    %reduce_sum3A_163 = vector.multi_reduction <add>, %reduce_sum3A_161, %reduce_sum3A_162 [1, 2] : vector<1x1x8xi32> to vector<1xi32>
    %reduce_sum3A_164 = vector.shape_cast %reduce_sum3A_163 : vector<1xi32> to vector<1x1x1xi32>
    %reduce_sum3A_165 = vector.extract %reduce_sum3A_164[0, 0, 0] : i32 from vector<1x1x1xi32>
    %eq3A_166 = arith.constant 3 : i32
    %eq3A_167 = vector.broadcast %eq3A_166 : i32 to vector<1x8xi32>
    %eq3A_168 = arith.cmpi eq, %iota3A_60, %eq3A_167 : vector<1x8xi32>
    %jit3A_169 = arith.constant 0 : i32
    %broadcast_in_dim3A_170 = vector.broadcast %jit3A_169 : i32 to vector<1x8xi32>
    %select_n3A_171 = arith.select %eq3A_168, %convert_element_type3A_59, %broadcast_in_dim3A_170 : vector<1x8xi1>, vector<1x8xi32>
    %reduce_sum3A_172 = vector.shape_cast %select_n3A_171 : vector<1x8xi32> to vector<1x1x8xi32>
    %reduce_sum3A_173 = arith.constant dense<0> : vector<1xi32>
    %reduce_sum3A_174 = vector.multi_reduction <add>, %reduce_sum3A_172, %reduce_sum3A_173 [1, 2] : vector<1x1x8xi32> to vector<1xi32>
    %reduce_sum3A_175 = vector.shape_cast %reduce_sum3A_174 : vector<1xi32> to vector<1x1x1xi32>
    %reduce_sum3A_176 = vector.extract %reduce_sum3A_175[0, 0, 0] : i32 from vector<1x1x1xi32>
    %ge3A_177 = vector.broadcast %reduce_sum3A_165 : i32 to vector<1x1x48xi32>
    %ge3A_178 = arith.cmpi sge, %iota3A_61, %ge3A_177 : vector<1x1x48xi32>
    %add3A_179 = arith.addi %reduce_sum3A_165, %reduce_sum3A_176 : i32
    %lt3A_180 = vector.broadcast %add3A_179 : i32 to vector<1x1x48xi32>
    %lt3A_181 = arith.cmpi slt, %iota3A_61, %lt3A_180 : vector<1x1x48xi32>
    %and3A_182 = arith.andi %ge3A_178, %lt3A_181 : vector<1x1x48xi1>
    %jit3A_183 = arith.constant 3 : i32
    %broadcast_in_dim3A_184 = vector.broadcast %jit3A_183 : i32 to vector<1x1x48xi32>
    %select_n3A_185 = arith.select %and3A_182, %broadcast_in_dim3A_184, %select_n3A_154 : vector<1x1x48xi1>, vector<1x1x48xi32>
    %eq3A_186 = arith.constant 4 : i32
    %eq3A_187 = vector.broadcast %eq3A_186 : i32 to vector<1x8xi32>
    %eq3A_188 = arith.cmpi eq, %iota3A_60, %eq3A_187 : vector<1x8xi32>
    %jit3A_189 = arith.constant 0 : i32
    %broadcast_in_dim3A_190 = vector.broadcast %jit3A_189 : i32 to vector<1x8xi32>
    %select_n3A_191 = arith.select %eq3A_188, %convert_element_type3A_58, %broadcast_in_dim3A_190 : vector<1x8xi1>, vector<1x8xi32>
    %reduce_sum3A_192 = vector.shape_cast %select_n3A_191 : vector<1x8xi32> to vector<1x1x8xi32>
    %reduce_sum3A_193 = arith.constant dense<0> : vector<1xi32>
    %reduce_sum3A_194 = vector.multi_reduction <add>, %reduce_sum3A_192, %reduce_sum3A_193 [1, 2] : vector<1x1x8xi32> to vector<1xi32>
    %reduce_sum3A_195 = vector.shape_cast %reduce_sum3A_194 : vector<1xi32> to vector<1x1x1xi32>
    %reduce_sum3A_196 = vector.extract %reduce_sum3A_195[0, 0, 0] : i32 from vector<1x1x1xi32>
    %eq3A_197 = arith.constant 4 : i32
    %eq3A_198 = vector.broadcast %eq3A_197 : i32 to vector<1x8xi32>
    %eq3A_199 = arith.cmpi eq, %iota3A_60, %eq3A_198 : vector<1x8xi32>
    %jit3A_200 = arith.constant 0 : i32
    %broadcast_in_dim3A_201 = vector.broadcast %jit3A_200 : i32 to vector<1x8xi32>
    %select_n3A_202 = arith.select %eq3A_199, %convert_element_type3A_59, %broadcast_in_dim3A_201 : vector<1x8xi1>, vector<1x8xi32>
    %reduce_sum3A_203 = vector.shape_cast %select_n3A_202 : vector<1x8xi32> to vector<1x1x8xi32>
    %reduce_sum3A_204 = arith.constant dense<0> : vector<1xi32>
    %reduce_sum3A_205 = vector.multi_reduction <add>, %reduce_sum3A_203, %reduce_sum3A_204 [1, 2] : vector<1x1x8xi32> to vector<1xi32>
    %reduce_sum3A_206 = vector.shape_cast %reduce_sum3A_205 : vector<1xi32> to vector<1x1x1xi32>
    %reduce_sum3A_207 = vector.extract %reduce_sum3A_206[0, 0, 0] : i32 from vector<1x1x1xi32>
    %ge3A_208 = vector.broadcast %reduce_sum3A_196 : i32 to vector<1x1x48xi32>
    %ge3A_209 = arith.cmpi sge, %iota3A_61, %ge3A_208 : vector<1x1x48xi32>
    %add3A_210 = arith.addi %reduce_sum3A_196, %reduce_sum3A_207 : i32
    %lt3A_211 = vector.broadcast %add3A_210 : i32 to vector<1x1x48xi32>
    %lt3A_212 = arith.cmpi slt, %iota3A_61, %lt3A_211 : vector<1x1x48xi32>
    %and3A_213 = arith.andi %ge3A_209, %lt3A_212 : vector<1x1x48xi1>
    %jit3A_214 = arith.constant 4 : i32
    %broadcast_in_dim3A_215 = vector.broadcast %jit3A_214 : i32 to vector<1x1x48xi32>
    %select_n3A_216 = arith.select %and3A_213, %broadcast_in_dim3A_215, %select_n3A_185 : vector<1x1x48xi1>, vector<1x1x48xi32>
    %eq3A_217 = arith.constant 5 : i32
    %eq3A_218 = vector.broadcast %eq3A_217 : i32 to vector<1x8xi32>
    %eq3A_219 = arith.cmpi eq, %iota3A_60, %eq3A_218 : vector<1x8xi32>
    %jit3A_220 = arith.constant 0 : i32
    %broadcast_in_dim3A_221 = vector.broadcast %jit3A_220 : i32 to vector<1x8xi32>
    %select_n3A_222 = arith.select %eq3A_219, %convert_element_type3A_58, %broadcast_in_dim3A_221 : vector<1x8xi1>, vector<1x8xi32>
    %reduce_sum3A_223 = vector.shape_cast %select_n3A_222 : vector<1x8xi32> to vector<1x1x8xi32>
    %reduce_sum3A_224 = arith.constant dense<0> : vector<1xi32>
    %reduce_sum3A_225 = vector.multi_reduction <add>, %reduce_sum3A_223, %reduce_sum3A_224 [1, 2] : vector<1x1x8xi32> to vector<1xi32>
    %reduce_sum3A_226 = vector.shape_cast %reduce_sum3A_225 : vector<1xi32> to vector<1x1x1xi32>
    %reduce_sum3A_227 = vector.extract %reduce_sum3A_226[0, 0, 0] : i32 from vector<1x1x1xi32>
    %eq3A_228 = arith.constant 5 : i32
    %eq3A_229 = vector.broadcast %eq3A_228 : i32 to vector<1x8xi32>
    %eq3A_230 = arith.cmpi eq, %iota3A_60, %eq3A_229 : vector<1x8xi32>
    %jit3A_231 = arith.constant 0 : i32
    %broadcast_in_dim3A_232 = vector.broadcast %jit3A_231 : i32 to vector<1x8xi32>
    %select_n3A_233 = arith.select %eq3A_230, %convert_element_type3A_59, %broadcast_in_dim3A_232 : vector<1x8xi1>, vector<1x8xi32>
    %reduce_sum3A_234 = vector.shape_cast %select_n3A_233 : vector<1x8xi32> to vector<1x1x8xi32>
    %reduce_sum3A_235 = arith.constant dense<0> : vector<1xi32>
    %reduce_sum3A_236 = vector.multi_reduction <add>, %reduce_sum3A_234, %reduce_sum3A_235 [1, 2] : vector<1x1x8xi32> to vector<1xi32>
    %reduce_sum3A_237 = vector.shape_cast %reduce_sum3A_236 : vector<1xi32> to vector<1x1x1xi32>
    %reduce_sum3A_238 = vector.extract %reduce_sum3A_237[0, 0, 0] : i32 from vector<1x1x1xi32>
    %ge3A_239 = vector.broadcast %reduce_sum3A_227 : i32 to vector<1x1x48xi32>
    %ge3A_240 = arith.cmpi sge, %iota3A_61, %ge3A_239 : vector<1x1x48xi32>
    %add3A_241 = arith.addi %reduce_sum3A_227, %reduce_sum3A_238 : i32
    %lt3A_242 = vector.broadcast %add3A_241 : i32 to vector<1x1x48xi32>
    %lt3A_243 = arith.cmpi slt, %iota3A_61, %lt3A_242 : vector<1x1x48xi32>
    %and3A_244 = arith.andi %ge3A_240, %lt3A_243 : vector<1x1x48xi1>
    %jit3A_245 = arith.constant 5 : i32
    %broadcast_in_dim3A_246 = vector.broadcast %jit3A_245 : i32 to vector<1x1x48xi32>
    %select_n3A_247 = arith.select %and3A_244, %broadcast_in_dim3A_246, %select_n3A_216 : vector<1x1x48xi1>, vector<1x1x48xi32>
    %eq3A_248 = arith.constant 6 : i32
    %eq3A_249 = vector.broadcast %eq3A_248 : i32 to vector<1x8xi32>
    %eq3A_250 = arith.cmpi eq, %iota3A_60, %eq3A_249 : vector<1x8xi32>
    %jit3A_251 = arith.constant 0 : i32
    %broadcast_in_dim3A_252 = vector.broadcast %jit3A_251 : i32 to vector<1x8xi32>
    %select_n3A_253 = arith.select %eq3A_250, %convert_element_type3A_58, %broadcast_in_dim3A_252 : vector<1x8xi1>, vector<1x8xi32>
    %reduce_sum3A_254 = vector.shape_cast %select_n3A_253 : vector<1x8xi32> to vector<1x1x8xi32>
    %reduce_sum3A_255 = arith.constant dense<0> : vector<1xi32>
    %reduce_sum3A_256 = vector.multi_reduction <add>, %reduce_sum3A_254, %reduce_sum3A_255 [1, 2] : vector<1x1x8xi32> to vector<1xi32>
    %reduce_sum3A_257 = vector.shape_cast %reduce_sum3A_256 : vector<1xi32> to vector<1x1x1xi32>
    %reduce_sum3A_258 = vector.extract %reduce_sum3A_257[0, 0, 0] : i32 from vector<1x1x1xi32>
    %eq3A_259 = arith.constant 6 : i32
    %eq3A_260 = vector.broadcast %eq3A_259 : i32 to vector<1x8xi32>
    %eq3A_261 = arith.cmpi eq, %iota3A_60, %eq3A_260 : vector<1x8xi32>
    %jit3A_262 = arith.constant 0 : i32
    %broadcast_in_dim3A_263 = vector.broadcast %jit3A_262 : i32 to vector<1x8xi32>
    %select_n3A_264 = arith.select %eq3A_261, %convert_element_type3A_59, %broadcast_in_dim3A_263 : vector<1x8xi1>, vector<1x8xi32>
    %reduce_sum3A_265 = vector.shape_cast %select_n3A_264 : vector<1x8xi32> to vector<1x1x8xi32>
    %reduce_sum3A_266 = arith.constant dense<0> : vector<1xi32>
    %reduce_sum3A_267 = vector.multi_reduction <add>, %reduce_sum3A_265, %reduce_sum3A_266 [1, 2] : vector<1x1x8xi32> to vector<1xi32>
    %reduce_sum3A_268 = vector.shape_cast %reduce_sum3A_267 : vector<1xi32> to vector<1x1x1xi32>
    %reduce_sum3A_269 = vector.extract %reduce_sum3A_268[0, 0, 0] : i32 from vector<1x1x1xi32>
    %ge3A_270 = vector.broadcast %reduce_sum3A_258 : i32 to vector<1x1x48xi32>
    %ge3A_271 = arith.cmpi sge, %iota3A_61, %ge3A_270 : vector<1x1x48xi32>
    %add3A_272 = arith.addi %reduce_sum3A_258, %reduce_sum3A_269 : i32
    %lt3A_273 = vector.broadcast %add3A_272 : i32 to vector<1x1x48xi32>
    %lt3A_274 = arith.cmpi slt, %iota3A_61, %lt3A_273 : vector<1x1x48xi32>
    %and3A_275 = arith.andi %ge3A_271, %lt3A_274 : vector<1x1x48xi1>
    %jit3A_276 = arith.constant 6 : i32
    %broadcast_in_dim3A_277 = vector.broadcast %jit3A_276 : i32 to vector<1x1x48xi32>
    %select_n3A_278 = arith.select %and3A_275, %broadcast_in_dim3A_277, %select_n3A_247 : vector<1x1x48xi1>, vector<1x1x48xi32>
    %eq3A_279 = arith.constant 7 : i32
    %eq3A_280 = vector.broadcast %eq3A_279 : i32 to vector<1x8xi32>
    %eq3A_281 = arith.cmpi eq, %iota3A_60, %eq3A_280 : vector<1x8xi32>
    %jit3A_282 = arith.constant 0 : i32
    %broadcast_in_dim3A_283 = vector.broadcast %jit3A_282 : i32 to vector<1x8xi32>
    %select_n3A_284 = arith.select %eq3A_281, %convert_element_type3A_58, %broadcast_in_dim3A_283 : vector<1x8xi1>, vector<1x8xi32>
    %reduce_sum3A_285 = vector.shape_cast %select_n3A_284 : vector<1x8xi32> to vector<1x1x8xi32>
    %reduce_sum3A_286 = arith.constant dense<0> : vector<1xi32>
    %reduce_sum3A_287 = vector.multi_reduction <add>, %reduce_sum3A_285, %reduce_sum3A_286 [1, 2] : vector<1x1x8xi32> to vector<1xi32>
    %reduce_sum3A_288 = vector.shape_cast %reduce_sum3A_287 : vector<1xi32> to vector<1x1x1xi32>
    %reduce_sum3A_289 = vector.extract %reduce_sum3A_288[0, 0, 0] : i32 from vector<1x1x1xi32>
    %eq3A_290 = arith.constant 7 : i32
    %eq3A_291 = vector.broadcast %eq3A_290 : i32 to vector<1x8xi32>
    %eq3A_292 = arith.cmpi eq, %iota3A_60, %eq3A_291 : vector<1x8xi32>
    %jit3A_293 = arith.constant 0 : i32
    %broadcast_in_dim3A_294 = vector.broadcast %jit3A_293 : i32 to vector<1x8xi32>
    %select_n3A_295 = arith.select %eq3A_292, %convert_element_type3A_59, %broadcast_in_dim3A_294 : vector<1x8xi1>, vector<1x8xi32>
    %reduce_sum3A_296 = vector.shape_cast %select_n3A_295 : vector<1x8xi32> to vector<1x1x8xi32>
    %reduce_sum3A_297 = arith.constant dense<0> : vector<1xi32>
    %reduce_sum3A_298 = vector.multi_reduction <add>, %reduce_sum3A_296, %reduce_sum3A_297 [1, 2] : vector<1x1x8xi32> to vector<1xi32>
    %reduce_sum3A_299 = vector.shape_cast %reduce_sum3A_298 : vector<1xi32> to vector<1x1x1xi32>
    %reduce_sum3A_300 = vector.extract %reduce_sum3A_299[0, 0, 0] : i32 from vector<1x1x1xi32>
    %ge3A_301 = vector.broadcast %reduce_sum3A_289 : i32 to vector<1x1x48xi32>
    %ge3A_302 = arith.cmpi sge, %iota3A_61, %ge3A_301 : vector<1x1x48xi32>
    %add3A_303 = arith.addi %reduce_sum3A_289, %reduce_sum3A_300 : i32
    %lt3A_304 = vector.broadcast %add3A_303 : i32 to vector<1x1x48xi32>
    %lt3A_305 = arith.cmpi slt, %iota3A_61, %lt3A_304 : vector<1x1x48xi32>
    %and3A_306 = arith.andi %ge3A_302, %lt3A_305 : vector<1x1x48xi1>
    %jit3A_307 = arith.constant 7 : i32
    %broadcast_in_dim3A_308 = vector.broadcast %jit3A_307 : i32 to vector<1x1x48xi32>
    %select_n3A_309 = arith.select %and3A_306, %broadcast_in_dim3A_308, %select_n3A_278 : vector<1x1x48xi1>, vector<1x1x48xi32>
    %swap3A_310 = arith.constant 0 : index
    %swap3A_311 = arith.constant 0 : index
    %swap3A_312 = arith.constant 0 : index
    %swap3A_313 = vector.load %arg4[%swap3A_310, %swap3A_311, %swap3A_312] : memref<1x1x48xi32, #tpu.memory_space<vmem>>, vector<1x1x48xi32>
    tpu.vector_store %arg4[%swap3A_310, %swap3A_311, %swap3A_312], %select_n3A_309 {strides = array<i32>} : memref<1x1x48xi32, #tpu.memory_space<vmem>>, vector<1x1x48xi32>,
    return
  }
  func.func @transform_0(%arg0: i32) -> (i32, i32) {
    %c0_i32 = arith.constant 0 : i32
    %c0_i32_0 = arith.constant 0 : i32
    return %arg0, %c0_i32 : i32, i32
  }
  func.func @transform_1(%arg0: i32) -> (i32, i32, i32) {
    %c0_i32 = arith.constant 0 : i32
    %c0_i32_0 = arith.constant 0 : i32
    %c0_i32_1 = arith.constant 0 : i32
    %c0_i32_2 = arith.constant 0 : i32
    return %c0_i32, %c0_i32_0, %c0_i32_1 : i32, i32, i32
  }
  func.func @transform_2(%arg0: i32) -> (i32, i32) {
    %c0_i32 = arith.constant 0 : i32
    %c0_i32_0 = arith.constant 0 : i32
    return %arg0, %c0_i32 : i32, i32
  }
  func.func @transform_3(%arg0: i32) -> (i32, i32, i32) {
    %c0_i32 = arith.constant 0 : i32
    %c0_i32_0 = arith.constant 0 : i32
    %c0_i32_1 = arith.constant 0 : i32
    %c0_i32_2 = arith.constant 0 : i32
    return %c0_i32, %c0_i32_0, %c0_i32_1 : i32, i32, i32
  }
}

module attributes {stable_mosaic.version = 14 : i64} {
  func.func @_mm_body(%arg0: i32, %arg1: memref<48xi32, #tpu.memory_space<smem>>, %arg2: memref<256x896xf32, #tpu.memory_space<vmem>>, %arg3: memref<1x768x768xf32, #tpu.memory_space<vmem>>, %arg4: memref<1x1x768xf32, #tpu.memory_space<vmem>>, %arg5: memref<256x768xf32, #tpu.memory_space<vmem>>) attributes {dimension_semantics = [#tpu.dimension_semantics<arbitrary>], iteration_bounds = array<i64: 40>, scalar_prefetch = 1 : i64, scratch_operands = 0 : i64, tpu.core_type = #tpu.core_type<tc>, window_params = [{transform_indices = @transform_0, window_bounds = array<i64: 256, 896>}, {transform_indices = @transform_1, window_bounds = array<i64: 1, 768, 768>}, {transform_indices = @transform_2, window_bounds = array<i64: 1, 1, 768>}, {transform_indices = @transform_3, window_bounds = array<i64: 256, 768>}]} {
    %get3A = arith.constant 0 : index
    %get3A_0 = arith.constant 0 : index
    %get3A_1 = vector.load %arg2[%get3A, %get3A_0] : memref<256x896xf32, #tpu.memory_space<vmem>>, vector<256x896xf32>
    %slice3A = vector.extract_strided_slice %get3A_1 {offsets = [0, 0], sizes = [256, 768], strides = [1, 1]} : vector<256x896xf32> to vector<256x768xf32>
    %convert_element_type3A = arith.truncf %slice3A : vector<256x768xf32> to vector<256x768xbf16>
    %slice3A_2 = vector.extract_strided_slice %get3A_1 {offsets = [0, 768], sizes = [256, 1], strides = [1, 1]} : vector<256x896xf32> to vector<256x1xf32>
    %get3A_3 = arith.constant 0 : index
    %get3A_4 = arith.constant 0 : index
    %get3A_5 = arith.constant 0 : index
    %get3A_6 = vector.load %arg3[%get3A_3, %get3A_4, %get3A_5] : memref<1x768x768xf32, #tpu.memory_space<vmem>>, vector<1x768x768xf32>
    %get3A_7 = vector.shape_cast %get3A_6 : vector<1x768x768xf32> to vector<768x768xf32>
    %convert_element_type3A_8 = arith.truncf %get3A_7 : vector<768x768xf32> to vector<768x768xbf16>
    %dot_general3A = arith.constant dense<0.000000e+00> : vector<256x768xf32>
    %dot_general3A_9 = tpu.matmul %convert_element_type3A, %convert_element_type3A_8, %dot_general3A {dimension_numbers = #tpu.dot_dimension_numbers<[1], [1], [0], [0], [0, 0, 1, 0], [], []>, transpose_lhs_hint = false} : vector<256x768xbf16>, vector<768x768xbf16>, vector<256x768xf32> -> vector<256x768xf32>
    %get3A_10 = arith.constant 0 : index
    %get3A_11 = arith.constant 0 : index
    %get3A_12 = arith.constant 0 : index
    %get3A_13 = vector.load %arg4[%get3A_10, %get3A_11, %get3A_12] : memref<1x1x768xf32, #tpu.memory_space<vmem>>, vector<1x1x768xf32>
    %get3A_14 = vector.shape_cast %get3A_13 : vector<1x1x768xf32> to vector<1x768xf32>
    %add3A = vector.broadcast %get3A_14 : vector<1x768xf32> to vector<256x768xf32>
    %add3A_15 = arith.addf %dot_general3A_9, %add3A : vector<256x768xf32>
    %mul3A = vector.broadcast %slice3A_2 : vector<256x1xf32> to vector<256x768xf32>
    %mul3A_16 = arith.mulf %add3A_15, %mul3A : vector<256x768xf32>
    %swap3A = arith.constant 0 : index
    %swap3A_17 = arith.constant 0 : index
    %swap3A_18 = vector.load %arg5[%swap3A, %swap3A_17] : memref<256x768xf32, #tpu.memory_space<vmem>>, vector<256x768xf32>
    tpu.vector_store %arg5[%swap3A, %swap3A_17], %mul3A_16 {strides = array<i32>} : memref<256x768xf32, #tpu.memory_space<vmem>>, vector<256x768xf32>,
    return
  }
  func.func @transform_0(%arg0: i32, %arg1: memref<48xi32, #tpu.memory_space<smem>>) -> (i32, i32) {
    %c0_i32 = arith.constant 0 : i32
    %c0_i32_0 = arith.constant 0 : i32
    return %arg0, %c0_i32 : i32, i32
  }
  func.func @transform_1(%arg0: i32, %arg1: memref<48xi32, #tpu.memory_space<smem>>) -> (i32, i32, i32) {
    %get3A = arith.index_cast %arg0 : i32 to index
    %get3A_0 = memref.load %arg1[%get3A] : memref<48xi32, #tpu.memory_space<smem>>
    %c0_i32 = arith.constant 0 : i32
    %c0_i32_1 = arith.constant 0 : i32
    %c0_i32_2 = arith.constant 0 : i32
    return %get3A_0, %c0_i32, %c0_i32_1 : i32, i32, i32
  }
  func.func @transform_2(%arg0: i32, %arg1: memref<48xi32, #tpu.memory_space<smem>>) -> (i32, i32, i32) {
    %get3A = arith.index_cast %arg0 : i32 to index
    %get3A_0 = memref.load %arg1[%get3A] : memref<48xi32, #tpu.memory_space<smem>>
    %c0_i32 = arith.constant 0 : i32
    %c0_i32_1 = arith.constant 0 : i32
    %c0_i32_2 = arith.constant 0 : i32
    return %get3A_0, %c0_i32, %c0_i32_1 : i32, i32, i32
  }
  func.func @transform_3(%arg0: i32, %arg1: memref<48xi32, #tpu.memory_space<smem>>) -> (i32, i32) {
    %c0_i32 = arith.constant 0 : i32
    %c0_i32_0 = arith.constant 0 : i32
    return %arg0, %c0_i32 : i32, i32
  }
}

</mosaic_0001>

<sc_bundles>
// kernel: kernel.10.cloned.1.call-start
scs
__scs_entry_jumppad:
0x0: {  	(pc) =	sbr.rel $0x88, $3  }
0x1: {  	(tag) =	ssettag $0x0;
	lr =	simm.s32 $0x1  }
0x2: {  	[smem:$0x3F9D] =	sst lr;
	_ =	strace $0xD0000000  }
0x3: {  	_ = 	snop  }
0x4: {  	_ = 	snop  }
0x5: {  	_ = 	snop  }
0x6: {  	_ = 	snop  }
0x7: {  	_ = 	snop  }
__scs_overlays_trampoline_lowered:
0x8: {  	[smem:$0x3FAC] =	sst s0  }
0x9: {  	[smem:$0x3FAD] =	sst s1  }
0xa: {  	[smem:$0x3FAE] =	sst s2  }
0xb: {  	[smem:$0x3FAF] =	sst s3  }
0xc: {  	[smem:$0x3FB0] =	sst s4  }
0xd: {  	[smem:$0x3FB1] =	sst s5  }
0xe: {  	[smem:$0x3FB2] =	sst s6  }
0xf: {  	[smem:$0x3FB3] =	sst s7  }
0x10: {  	[smem:$0x3FB4] =	sst s8  }
0x11: {  	[smem:$0x3FB5] =	sst s9;
	s0 =	simm.s32 @!p0 $0x0  }
0x12: {  	s1 =	sld [smem:$0x3F9B];
	s0 =	simm.s32 @p0 $0x1  }
0x13: {  	[smem:$0x3FB6] =	sst s0;
	s0 =	simm.s32 @!p1 $0x0  }
0x14: {  	s2 =	sld [smem:$0x3F9A];
	s0 =	simm.s32 @p1 $0x1  }
0x15: {  	[smem:$0x3FB7] =	sst s0;
	s0 =	simm.s32 @!p2 $0x0  }
0x16: {  	s3 =	sld [smem:$0x3FDB];
	s0 =	simm.s32 @p2 $0x1  }
0x17: {  	s4 =	simm.s32 $0x1BF5;
	[smem:$0x3FB9] =	sst s0  }
0x18: {  	s0 =	sld [smem:$0x3F9C];
	_ =	swait.ge [sflag:s4], $0x0  }
0x19: {  	s7 =	sld [smem:$0x3F9D]  }
0x1a: {  	s8 =	sadd.s32 $0xFFFFE003, lr  }
0x1b: {  	s9 =	sadd.s32 $0xFFFFFEF7, lr;
	s5 =	simm.s32 $0xFFFFFFFF;
	p2 =	slt.u32 s8, $0xFFFFF086  }
0x1c: {  	p1 =	slt.u32 s9, $0xF7A;
	s5 =	simm.s32 @!p2 $0x0  }
0x1d: {  	s5 =	simm.s32 @p1 $0x1;
	p0 =	seq.s32 s7, s2  }
0x1e: {  	s7 =	smul.u32 @!p0 $0xF7A, s2;
	p2 =	seq.s32 @!p0 s5, $0x0  }
0x1f: {  	s9 =	smul.u32 $0xF7A, s1;
	s8 =	simm.s32 @!p0 $0x1BF5;
	p2 =	por !p2, p0  }
0x20: {  	[sflag:s8] =	ssyncset.s32 @!p0 $0xFFFFF086;
	s6 =	sadd.s32 @!p0 s3, s7;
	s7 =	simm.s32 @!p0 $0x108  }
0x21: {  	s3 =	sadd.s32 s3, s9;
	s6 =	sadd.s32 @!p0 $0x88, s6;
	s7 =	simm.s32 @p2 $0x1082  }
0x22: {  	[simem:s7], [sflag:s8] =	dma.local @!p0 [hbm:s6], $0xF7A  }
0x23: {  	s9 =	sor.u32 $0xD0000000, s2;
	s6 =	simm.s32 $0x108;
	_ =	swait.ge @!p0 [sflag:s8], $0x0  }
0x24: {  	s3 =	sadd.s32 $0x88, s3;
	s6 =	simm.s32 @!p1 $0x1082;
	[sflag:s4] =	ssyncset.s32 $0xFFFFF086  }
0x25: {  	[simem:s6], [sflag:s4] =	dma.local [hbm:s3], $0xF7A  }
0x26: {  	[smem:$0x3F9D] =	sst s1;
	(tag) =	ssettag s2;
	_ =	strace s9  }
0x27: {  	s1 =	sld [smem:$0x3FAD]  }
0x28: {  	s2 =	sld [smem:$0x3FAE]  }
0x29: {  	s4 =	sld [smem:$0x3FB0]  }
0x2a: {  	p0 =	seq.s32 s5, $0x0;
	s5 =	sld [smem:$0x3FB1]  }
0x2b: {  	s6 =	sld [smem:$0x3FB2]  }
0x2c: {  	s7 =	sld [smem:$0x3FB3]  }
0x2d: {  	s3 =	simm.s32 $0x108;
	s8 =	sld [smem:$0x3FB4]  }
0x2e: {  	s3 =	simm.s32 @!p0 $0x1082;
	s9 =	sld [smem:$0x3FB5]  }
0x2f: {  	lr =	sadd.s32 s0, s3;
	s0 =	sld [smem:$0x3FAC]  }
0x30: {  	s3 =	sld [smem:$0x3FAF]  }
0x31: {  	[smem:$0x3FB8] =	sst s10  }
0x32: {  	s10 =	sld [smem:$0x3FB6];
	_ =	sdelay $0x3  }
0x33: {  	p0 =	seq.s32 s10, $0x1;
	s10 =	sld [smem:$0x3FB8];
	_ =	sdelay $0x3  }
0x34: {  	[smem:$0x3FB8] =	sst s10  }
0x35: {  	s10 =	sld [smem:$0x3FB7];
	_ =	sdelay $0x3  }
0x36: {  	p1 =	seq.s32 s10, $0x1;
	s10 =	sld [smem:$0x3FB8];
	_ =	sdelay $0x3  }
0x37: {  	[smem:$0x3FB8] =	sst s10  }
0x38: {  	s10 =	sld [smem:$0x3FB9]  }
0x39: {  	_ = 	snop;
	(pc) =	sbr.ind lr, $3  }
0x3a: {  	_ = 	snop  }
0x3b: {  	_ = 	snop  }
0x3c: {  	p2 =	seq.s32 s10, $0x1;
	s10 =	sld [smem:$0x3FB8]  }
0x3d: {  	_ =	shalt  }
0x3e: {  	_ =	shalt  }
0x3f: {  	_ =	shalt  }
0x40: {  	_ =	shalt  }
0x41: {  	_ =	shalt  }
0x42: {  	_ =	shalt  }
0x43: {  	_ =	shalt  }
0x44: {  	_ =	shalt  }
0x45: {  	_ =	shalt  }
0x46: {  	_ =	shalt  }
0x47: {  	_ =	shalt  }
0x48: {  	_ =	shalt  }
0x49: {  	_ =	shalt  }
0x4a: {  	_ =	shalt  }
0x4b: {  	_ =	shalt  }
0x4c: {  	_ =	shalt  }
0x4d: {  	_ =	shalt  }
0x4e: {  	_ =	shalt  }
0x4f: {  	_ =	shalt  }
0x50: {  	_ =	shalt  }
0x51: {  	_ =	shalt  }
0x52: {  	_ =	shalt  }
0x53: {  	_ =	shalt  }
0x54: {  	_ =	shalt  }
0x55: {  	_ =	shalt  }
0x56: {  	_ =	shalt  }
0x57: {  	_ =	shalt  }
0x58: {  	_ =	shalt  }
0x59: {  	_ =	shalt  }
0x5a: {  	_ =	shalt  }
0x5b: {  	_ =	shalt  }
0x5c: {  	_ =	shalt  }
0x5d: {  	_ =	shalt  }
0x5e: {  	_ =	shalt  }
0x5f: {  	_ =	shalt  }
0x60: {  	_ =	shalt  }
0x61: {  	_ =	shalt  }
0x62: {  	_ =	shalt  }
0x63: {  	_ =	shalt  }
0x64: {  	_ =	shalt  }
0x65: {  	_ =	shalt  }
0x66: {  	_ =	shalt  }
0x67: {  	_ =	shalt  }
0x68: {  	_ =	shalt  }
0x69: {  	_ =	shalt  }
0x6a: {  	_ =	shalt  }
0x6b: {  	_ =	shalt  }
0x6c: {  	_ =	shalt  }
0x6d: {  	_ =	shalt  }
0x6e: {  	_ =	shalt  }
0x6f: {  	_ =	shalt  }
0x70: {  	_ =	shalt  }
0x71: {  	_ =	shalt  }
0x72: {  	_ =	shalt  }
0x73: {  	_ =	shalt  }
0x74: {  	_ =	shalt  }
0x75: {  	_ =	shalt  }
0x76: {  	_ =	shalt  }
0x77: {  	_ =	shalt  }
0x78: {  	_ =	shalt  }
0x79: {  	_ =	shalt  }
0x7a: {  	_ =	shalt  }
0x7b: {  	_ =	shalt  }
0x7c: {  	_ =	shalt  }
0x7d: {  	_ =	shalt  }
0x7e: {  	_ =	shalt  }
0x7f: {  	_ =	shalt  }
0x80: {  	_ =	shalt  }
0x81: {  	_ =	shalt  }
0x82: {  	_ =	shalt  }
0x83: {  	_ =	shalt  }
0x84: {  	_ =	shalt  }
0x85: {  	_ =	shalt  }
0x86: {  	_ =	shalt  }
0x87: {  	_ =	shalt  }
.Lfunc_end0:
.L_simem_size_0:
called_computation.1_lowered:
.L_overlay_start_0:
0x88: {  	s2 =	sld [smem:$0x3FD9]  }
0x89: {  	s3 =	sld [smem:$0x3FFE];
	_ =	sdelay $0x1  }
0x8a: {  	s1 =	srdreg.scid  }
0x8b: {  	s0 =	sand.u32 $0x1, s1  }
0x8c: {  	s14 =	sshll.u32 s0, $0xA;
	s2 =	sadd.s32 s3, s2  }
0x8d: {  	s2 =	sadd.s32 s2, s14  }
0x8e: {  	[smem:$0x3FC4] =	sst s2  }
0x8f: {  	_ = 	snop  }
0x90: {  	s2 =	sld [smem:$0x3FD0];
	_ =	sdelay $0x2  }
0x91: {  	s15 =	simm.s32 $0xA;
	s4 =	simm.s32 $0x10  }
0x92: {  	[smem:s4], [sflag:s15] =	dma.local [hbm:s2], $0x1  }
0x93: {  	_ =	swait.eq [sflag:s15], $0x1  }
0x94: {  	[sflag:s15] =	ssyncset.done $0x0  }
0x95: {  	[sflag:s15] =	ssyncadd.s32 $0xFFFFFFFF  }
0x96: {  	s16 =	sld [smem:$0x10];
	(tm) =	ssettm $0x1  }
0x97: {  	s17 =	sld [smem:$0x3FFB];
	_ =	sdelay $0x3  }
0x98: {  	_ =	strace s17  }
0x99: {  	s3 =	sld [smem:$0x3FFC];
	_ =	sdelay $0x3  }
0x9a: {  	_ =	strace s3  }
0x9b: {  	s3 =	sld [smem:$0x3FFD];
	_ =	sdelay $0x3  }
0x9c: {  	_ =	strace s3  }
0x9d: {  	_ =	strace $0x8FFFFFFF  }
0x9e: {  	s18 =	sld [smem:$0x3FDB];
	_ =	sdelay $0x1  }
0x9f: {  	s19 =	simm.s32 $_scs_section_size  }
0xa0: {  	s5 =	simm.s32 $_size__tile_overlayer_lowered;
	s6 =	simm.s32 $_tile_overlayer_lowered  }
0xa1: {  	s22 =	simm.s32 $0x1BFF;
	s21 =	sshll.u32 s6, $0x1;
	s3 =	sadd.s32 s19, s18  }
0xa2: {  	s7 =	simm.s32 $0x0;
	s20 =	sshll.u32 s5, $0x1;
	s5 =	sadd.s32 s21, s3  }
0xa3: {  	[timem:s7], [sflag:s22] =	dma.local [hbm:s5], s20  }
0xa4: {  	_ =	swait.ge [sflag:s22], s20  }
0xa5: {  	s4 =	ssub.s32 $0x0, s20;
	[sflag:s22] =	ssyncset.done $0x0  }
0xa6: {  	[sflag:s22] =	ssyncadd.s32 s4;
	_ =	sdelay $0x1  }
0xa7: {  	s23 =	simm.s32 $0x1B8B  }
0xa8: {  	_ =	swait.ge [sflag:s23], $0x1  }
0xa9: {  	[sflag:s23] =	ssyncset.done $0x0  }
0xaa: {  	s25 =	simm.s32 $0x1B8E;
	s24 =	sld [smem:$0x3FFE];
	[sflag:s23] =	ssyncadd.s32 $0xFFFFFFFF  }
0xab: {  	s26 =	simm.s32 $execute0_lowered;
	[smem:$0x3FD2] =	sst s25  }
0xac: {  	s5 =	sshll.u32 s26, $0x1;
	_ =	strace $0x80000049;
	[dreg:$0x1] =	wrdreg $0xFFFFFFFF  }
0xad: {  	s28 =	simm.s32 $_size_execute0_lowered;
	s3 =	sadd.s32 s3, s5;
	[dreg:$0x0] =	wrdreg $0x0  }
0xae: {  	s5 =	sshll.u32 s28, $0x1;
	[dreg:$0x2] =	wrdreg s3  }
0xaf: {  	[dreg:$0x3] =	wrdreg s5  }
0xb0: {  	[dreg:$0x4] =	wrdreg $0xC0  }
0xb1: {  	_ =	task [dreg:s7], $0x5FFFF  }
0xb2: {  	[dreg:$0x1] =	wrdreg $0xFFFFFFFF  }
0xb3: {  	[dreg:$0x0] =	wrdreg $0x60  }
0xb4: {  	[dreg:$0x2] =	wrdreg s24  }
0xb5: {  	[dreg:$0x3] =	wrdreg s16  }
0xb6: {  	[dreg:$0x4] =	wrdreg $0x9  }
0xb7: {  	_ =	task.clear_ibuf [dreg:s7], $0x5FFFF;
	_ =	strace $0x90000049  }
0xb8: {  	s29 =	simm.s32 $0x9;
	_ =	strace $0x8000004B  }
0xb9: {  	_ =	swait.ge [sflag:s29], $0x1  }
0xba: {  	[sflag:s29] =	ssyncadd.s32 $0xFFFFFFFF  }
0xbb: {  	_ =	strace $0x9000004B  }
0xbc: {  	_ =	sfence  }
0xbd: {  	s30 =	sld [smem:$0x0];
	_ =	sdelay $0x2  }
0xbe: {  	s31 =	sshll.u32 s1, $0xD;
	s1 =	sshrl.u32 s1, $0x2  }
0xbf: {  	s3 =	sand.u32 $0x4000, s31;
	s1 =	sadd.s32 s1, s30  }
0xc0: {  	s0 =	sor.u32 s3, s0;
	s1 =	sshll.u32 s1, $0x11  }
0xc1: {  	s0 =	sor.u32 s1, s0  }
0xc2: {  	s0 =	sadd.s32 $0x8F2B, s0  }
0xc3: {  	[sflag:s0] =	ssyncadd.remote.s32 $0x1  }
0xc4: {  	_ =	sfence.sel $0xFFFF  }
0xc5: {  	[dreg:$0x0] =	wrdreg $0xFFFFFFFF;
	(pc) =	sbr.abs _section_cstart, $3  }
0xc6: {  	[dreg:$0x1] =	wrdreg $0xFFFFFFFF  }
0xc7: {  	_ =	task.clear_ibuf [dreg:s7], $0x2FFFF;
	_ =	strace $0x9FFFFFFF  }
0xc8: {  	(tm) =	ssettm $0x7FFFFFFF  }
0xc9: {  	_ =	shalt  }
tec
execute0_lowered:
.L_overlay_start_1:
0x0: {  	(tag) =	ssettag $0x1  }
0x1: {  	s0 =	rddreg [dreg:$0x0]  }
0x2: {  	s1 =	rddreg [dreg:$0x1]  }
0x3: {  	s2 =	srdreg.scid;
	s3 =	stileid.u32;
	s10 =	simm.s32 $0x900  }
0x4: {  	s11 =	simm.s32 $0x1100;
	s12 =	simm.s32 $0x1900;
	s13 =	simm.s32 $0x2100  }
0x5: {  	s14 =	simm.s32 $0x2900;
	s15 =	simm.s32 $0x3100;
	s16 =	simm.s32 $0x3900  }
0x6: {  	s17 =	simm.s32 $0x4100;
	s18 =	simm.s32 $0x4900;
	s19 =	simm.s32 $0x5100  }
0x7: {  	s20 =	simm.s32 $0x5900;
	s21 =	simm.s32 $0x6100;
	s22 =	simm.s32 $0x6900  }
0x8: {  	s23 =	simm.s32 $0x7100;
	s24 =	simm.s32 $0x7900;
	s25 =	simm.s32 $0x8100  }
0x9: {  	s28 =	simm.s32 $0x9100;
	s29 =	simm.s32 $0x9900;
	s30 =	simm.s32 $0xA100  }
0xa: {  	s31 =	simm.s32 $0xA900;
	s4 =	sand.u32 $0x1, s2;
	s2 =	simm.s32 $0x0  }
0xb: {  	s3 =	sshll.u32 s3, $0x6;
	s5 =	sshll.u32 s4, $0x5;
	[smem:$0x7FF] =	sst s2  }
0xc: {  	s4 =	ssub.s32 $0x2, s4;
	s5 =	sor.u32 s5, s3;
	_ =	strace $0x8000004A  }
0xd: {  	s3 =	sadd.s32 $0x11A000, s0;
	s8 =	sshrl.u32 s4, $0x1;
	s6 =	smul.u32 $0x1800, s5  }
0xe: {  	s7 =	sadd.s32 s5, s0;
	s5 =	smul.u32 $0x300, s5;
	s26 =	ssub.s32 s4, s8  }
0xf: {  	s4 =	sadd.s32 $0x11A100, s0;
	s8 =	simm.s32 $0xB900;
	s7 =	sadd.s32 $0x1C00, s7  }
0x10: {  	s6 =	sshrl.u32 s6, $0x3;
	[dreg:$0x3] =	wrdreg s7;
	s5 =	sadd.s32 s1, s5  }
0x11: {  	v2 =	vlaneseq.u32;
	s7 =	simm.s32 $0x2;
	s1 =	sadd.s32 s1, s6;
	[dreg:$0x4] =	wrdreg s5  }
0x12: {  	vm0 =	vmmov $0xffff;
	v1 =	vshrl.u32 v2, $0x3;
	s5 =	sadd.s32 $0x11A200, s0;
	s6 =	smax.u32 s26, $0x1;
	s1 =	sadd.s32 $0x3000, s1  }
0x13: {  	v0 =	vand.u32 $0x7, v2;
	v2 =	vor.u32 $0x8, v2;
	v1 =	vmul.u32 $0x8, v1;
	s26 =	simm.s32 $0x8900;
	[dreg:$0x5] =	wrdreg s1;
	s1 =	simm.s32 $0x1  }
.LBB2_1:
0x14: {  	s9 =	rddreg [dreg:$0x3]  }
0x15: {  	[tilespmem:s2], [sflag:$0x2] =	stream.linear.gather [hbm4b:s9+s2], $0x100, $0x38;
	[tilespmem:$0x18100] =	vst v63  }
0x16: {  	_ =	swait.ge [sflag:s7], $0x100  }
0x17: {  	[sflag:s7] =	ssyncset.done $0x0  }
0x18: {  	[sflag:s7] =	ssyncadd.s32 $0xFFFFFF00  }
0x19: {  	v3 =	vld [tilespmem:$0x0];
	_ =	sdelay $0x4  }
0x1a: {  	v4 =	vshrl.u32 v3, $0x3  }
0x1b: {  	v4 =	vmul.u32 $0x30, v4  }
0x1c: {  	v3 =	vand.u32 $0x7, v3  }
0x1d: {  	v3 =	vor.u32 v3, v4  }
0x1e: {  	v4 =	vperm.xlane v3, v0;
	_ =	sdelay $0x1  }
0x1f: {  	v4 =	vadd.s32 v1, v4;
	_ =	sdelay $0x3  }
0x20: {  	s0 =	simm.s32 $0x100;
	v3 =	vperm.xlane v3, v2  }
0x21: {  	[tilespmem:s0], [sflag:$0x1] =	stream.indirect_vreg.gather [hbm4b:s3+s2], $0x80, v4, vm0, $0xb8;
	[tilespmem:$0x18100] =	vst v63  }
0x22: {  	v3 =	vadd.s32 v1, v3  }
0x23: {  	[tilespmem:s10], [sflag:$0x1] =	stream.indirect_vreg.gather [hbm4b:s4+s2], $0x80, v4, vm0, $0xb8;
	[tilespmem:$0x18100] =	vst v63  }
0x24: {  	_ = 	snop  }
0x25: {  	[tilespmem:s11], [sflag:$0x1] =	stream.indirect_vreg.gather [hbm4b:s5+s2], $0x80, v4, vm0, $0xb8;
	[tilespmem:$0x18100] =	vst v63  }
0x26: {  	_ = 	snop  }
0x27: {  	[tilespmem:s12], [sflag:$0x1] =	stream.indirect_vreg.gather [hbm4b:s3+s2], $0x80, v3, vm0, $0xb8;
	[tilespmem:$0x18100] =	vst v63  }
0x28: {  	_ = 	snop  }
0x29: {  	[tilespmem:s13], [sflag:$0x1] =	stream.indirect_vreg.gather [hbm4b:s4+s2], $0x80, v3, vm0, $0xb8;
	[tilespmem:$0x18100] =	vst v63  }
0x2a: {  	_ = 	snop  }
0x2b: {  	[tilespmem:s14], [sflag:$0x1] =	stream.indirect_vreg.gather [hbm4b:s5+s2], $0x80, v3, vm0, $0xb8;
	[tilespmem:$0x18100] =	vst v63  }
0x2c: {  	v3 =	vld [tilespmem:$0x10];
	_ =	sdelay $0x4  }
0x2d: {  	v49 =	vshrl.u32 v3, $0x3  }
0x2e: {  	v4 =	vmul.u32 $0x30, v49  }
0x2f: {  	v3 =	vand.u32 $0x7, v3  }
0x30: {  	v3 =	vor.u32 v3, v4  }
0x31: {  	v4 =	vperm.xlane v3, v0;
	_ =	sdelay $0x1  }
0x32: {  	v4 =	vadd.s32 v1, v4;
	_ =	sdelay $0x3  }
0x33: {  	v3 =	vperm.xlane v3, v2  }
0x34: {  	[tilespmem:s15], [sflag:$0x1] =	stream.indirect_vreg.gather [hbm4b:s3+s2], $0x80, v4, vm0, $0xb8;
	[tilespmem:$0x18100] =	vst v63  }
0x35: {  	v3 =	vadd.s32 v1, v3  }
0x36: {  	[tilespmem:s16], [sflag:$0x1] =	stream.indirect_vreg.gather [hbm4b:s4+s2], $0x80, v4, vm0, $0xb8;
	[tilespmem:$0x18100] =	vst v63  }
0x37: {  	_ = 	snop  }
0x38: {  	[tilespmem:s17], [sflag:$0x1] =	stream.indirect_vreg.gather [hbm4b:s5+s2], $0x80, v4, vm0, $0xb8;
	[tilespmem:$0x18100] =	vst v63  }
0x39: {  	_ = 	snop  }
0x3a: {  	[tilespmem:s18], [sflag:$0x1] =	stream.indirect_vreg.gather [hbm4b:s3+s2], $0x80, v3, vm0, $0xb8;
	[tilespmem:$0x18100] =	vst v63  }
0x3b: {  	_ = 	snop  }
0x3c: {  	[tilespmem:s19], [sflag:$0x1] =	stream.indirect_vreg.gather [hbm4b:s4+s2], $0x80, v3, vm0, $0xb8;
	[tilespmem:$0x18100] =	vst v63  }
0x3d: {  	_ = 	snop  }
0x3e: {  	[tilespmem:s20], [sflag:$0x1] =	stream.indirect_vreg.gather [hbm4b:s5+s2], $0x80, v3, vm0, $0xb8;
	[tilespmem:$0x18100] =	vst v63  }
0x3f: {  	v3 =	vld [tilespmem:$0x20];
	_ =	sdelay $0x4  }
0x40: {  	v50 =	vshrl.u32 v3, $0x3  }
0x41: {  	v4 =	vmul.u32 $0x30, v50  }
0x42: {  	v3 =	vand.u32 $0x7, v3  }
0x43: {  	v3 =	vor.u32 v3, v4  }
0x44: {  	v4 =	vperm.xlane v3, v0;
	_ =	sdelay $0x1  }
0x45: {  	v4 =	vadd.s32 v1, v4;
	_ =	sdelay $0x3  }
0x46: {  	v3 =	vperm.xlane v3, v2  }
0x47: {  	[tilespmem:s21], [sflag:$0x1] =	stream.indirect_vreg.gather [hbm4b:s3+s2], $0x80, v4, vm0, $0xb8;
	[tilespmem:$0x18100] =	vst v63  }
0x48: {  	v3 =	vadd.s32 v1, v3  }
0x49: {  	[tilespmem:s22], [sflag:$0x1] =	stream.indirect_vreg.gather [hbm4b:s4+s2], $0x80, v4, vm0, $0xb8;
	[tilespmem:$0x18100] =	vst v63  }
0x4a: {  	_ = 	snop  }
0x4b: {  	[tilespmem:s23], [sflag:$0x1] =	stream.indirect_vreg.gather [hbm4b:s5+s2], $0x80, v4, vm0, $0xb8;
	[tilespmem:$0x18100] =	vst v63  }
0x4c: {  	_ = 	snop  }
0x4d: {  	[tilespmem:s24], [sflag:$0x1] =	stream.indirect_vreg.gather [hbm4b:s3+s2], $0x80, v3, vm0, $0xb8;
	[tilespmem:$0x18100] =	vst v63  }
0x4e: {  	_ = 	snop  }
0x4f: {  	[tilespmem:s25], [sflag:$0x1] =	stream.indirect_vreg.gather [hbm4b:s4+s2], $0x80, v3, vm0, $0xb8;
	[tilespmem:$0x18100] =	vst v63  }
0x50: {  	_ = 	snop  }
0x51: {  	[tilespmem:s26], [sflag:$0x1] =	stream.indirect_vreg.gather [hbm4b:s5+s2], $0x80, v3, vm0, $0xb8;
	[tilespmem:$0x18100] =	vst v63  }
0x52: {  	v3 =	vld [tilespmem:$0x30];
	_ =	sdelay $0x4  }
0x53: {  	v51 =	vshrl.u32 v3, $0x3  }
0x54: {  	v4 =	vmul.u32 $0x30, v51  }
0x55: {  	v3 =	vand.u32 $0x7, v3  }
0x56: {  	v3 =	vor.u32 v3, v4  }
0x57: {  	v4 =	vperm.xlane v3, v0;
	_ =	sdelay $0x1  }
0x58: {  	v4 =	vadd.s32 v1, v4;
	_ =	sdelay $0x3  }
0x59: {  	v3 =	vperm.xlane v3, v2  }
0x5a: {  	[tilespmem:s28], [sflag:$0x1] =	stream.indirect_vreg.gather [hbm4b:s3+s2], $0x80, v4, vm0, $0xb8;
	[tilespmem:$0x18100] =	vst v63  }
0x5b: {  	v3 =	vadd.s32 v1, v3  }
0x5c: {  	[tilespmem:s29], [sflag:$0x1] =	stream.indirect_vreg.gather [hbm4b:s4+s2], $0x80, v4, vm0, $0xb8;
	[tilespmem:$0x18100] =	vst v63  }
0x5d: {  	_ = 	snop  }
0x5e: {  	[tilespmem:s30], [sflag:$0x1] =	stream.indirect_vreg.gather [hbm4b:s5+s2], $0x80, v4, vm0, $0xb8;
	[tilespmem:$0x18100] =	vst v63  }
0x5f: {  	_ = 	snop  }
0x60: {  	[tilespmem:s31], [sflag:$0x1] =	stream.indirect_vreg.gather [hbm4b:s3+s2], $0x80, v3, vm0, $0xb8;
	[tilespmem:$0x18100] =	vst v63  }
0x61: {  	s9 =	simm.s32 $0xB100  }
0x62: {  	[tilespmem:s9], [sflag:$0x1] =	stream.indirect_vreg.gather [hbm4b:s4+s2], $0x80, v3, vm0, $0xb8;
	[tilespmem:$0x18100] =	vst v63  }
0x63: {  	_ = 	snop  }
0x64: {  	[tilespmem:s8], [sflag:$0x1] =	stream.indirect_vreg.gather [hbm4b:s5+s2], $0x80, v3, vm0, $0xb8;
	[tilespmem:$0x18100] =	vst v63  }
0x65: {  	v3 =	vld [tilespmem:$0x40];
	_ =	sdelay $0x4  }
0x66: {  	v52 =	vshrl.u32 v3, $0x3  }
0x67: {  	v4 =	vmul.u32 $0x30, v52  }
0x68: {  	v3 =	vand.u32 $0x7, v3  }
0x69: {  	v3 =	vor.u32 v3, v4  }
0x6a: {  	v4 =	vperm.xlane v3, v0;
	_ =	sdelay $0x1  }
0x6b: {  	v4 =	vadd.s32 v1, v4;
	_ =	sdelay $0x3  }
0x6c: {  	s9 =	simm.s32 $0xC100;
	v3 =	vperm.xlane v3, v2  }
0x6d: {  	[tilespmem:s9], [sflag:$0x1] =	stream.indirect_vreg.gather [hbm4b:s3+s2], $0x80, v4, vm0, $0xb8;
	[tilespmem:$0x18100] =	vst v63  }
0x6e: {  	v3 =	vadd.s32 v1, v3;
	s9 =	simm.s32 $0xC900  }
0x6f: {  	[tilespmem:s9], [sflag:$0x1] =	stream.indirect_vreg.gather [hbm4b:s4+s2], $0x80, v4, vm0, $0xb8;
	[tilespmem:$0x18100] =	vst v63  }
0x70: {  	s9 =	simm.s32 $0xD100  }
0x71: {  	[tilespmem:s9], [sflag:$0x1] =	stream.indirect_vreg.gather [hbm4b:s5+s2], $0x80, v4, vm0, $0xb8;
	[tilespmem:$0x18100] =	vst v63  }
0x72: {  	s9 =	simm.s32 $0xD900  }
0x73: {  	[tilespmem:s9], [sflag:$0x1] =	stream.indirect_vreg.gather [hbm4b:s3+s2], $0x80, v3, vm0, $0xb8;
	[tilespmem:$0x18100] =	vst v63  }
0x74: {  	s9 =	simm.s32 $0xE100  }
0x75: {  	[tilespmem:s9], [sflag:$0x1] =	stream.indirect_vreg.gather [hbm4b:s4+s2], $0x80, v3, vm0, $0xb8;
	[tilespmem:$0x18100] =	vst v63  }
0x76: {  	s9 =	simm.s32 $0xE900  }
0x77: {  	[tilespmem:s9], [sflag:$0x1] =	stream.indirect_vreg.gather [hbm4b:s5+s2], $0x80, v3, vm0, $0xb8;
	[tilespmem:$0x18100] =	vst v63  }
0x78: {  	v3 =	vld [tilespmem:$0x50];
	_ =	sdelay $0x4  }
0x79: {  	v53 =	vshrl.u32 v3, $0x3  }
0x7a: {  	v4 =	vmul.u32 $0x30, v53  }
0x7b: {  	v3 =	vand.u32 $0x7, v3  }
0x7c: {  	v3 =	vor.u32 v3, v4  }
0x7d: {  	v4 =	vperm.xlane v3, v0;
	_ =	sdelay $0x1  }
0x7e: {  	v4 =	vadd.s32 v1, v4;
	_ =	sdelay $0x3  }
0x7f: {  	s9 =	simm.s32 $0xF100;
	v3 =	vperm.xlane v3, v2  }
0x80: {  	[tilespmem:s9], [sflag:$0x1] =	stream.indirect_vreg.gather [hbm4b:s3+s2], $0x80, v4, vm0, $0xb8;
	[tilespmem:$0x18100] =	vst v63  }
0x81: {  	v3 =	vadd.s32 v1, v3;
	s9 =	simm.s32 $0xF900  }
0x82: {  	[tilespmem:s9], [sflag:$0x1] =	stream.indirect_vreg.gather [hbm4b:s4+s2], $0x80, v4, vm0, $0xb8;
	[tilespmem:$0x18100] =	vst v63  }
0x83: {  	s9 =	simm.s32 $0x10100  }
0x84: {  	[tilespmem:s9], [sflag:$0x1] =	stream.indirect_vreg.gather [hbm4b:s5+s2], $0x80, v4, vm0, $0xb8;
	[tilespmem:$0x18100] =	vst v63  }
0x85: {  	s9 =	simm.s32 $0x10900  }
0x86: {  	[tilespmem:s9], [sflag:$0x1] =	stream.indirect_vreg.gather [hbm4b:s3+s2], $0x80, v3, vm0, $0xb8;
	[tilespmem:$0x18100] =	vst v63  }
0x87: {  	s9 =	simm.s32 $0x11100  }
0x88: {  	[tilespmem:s9], [sflag:$0x1] =	stream.indirect_vreg.gather [hbm4b:s4+s2], $0x80, v3, vm0, $0xb8;
	[tilespmem:$0x18100] =	vst v63  }
0x89: {  	s9 =	simm.s32 $0x11900  }
0x8a: {  	[tilespmem:s9], [sflag:$0x1] =	stream.indirect_vreg.gather [hbm4b:s5+s2], $0x80, v3, vm0, $0xb8;
	[tilespmem:$0x18100] =	vst v63  }
0x8b: {  	v3 =	vld [tilespmem:$0x60];
	_ =	sdelay $0x4  }
0x8c: {  	v54 =	vshrl.u32 v3, $0x3  }
0x8d: {  	v4 =	vmul.u32 $0x30, v54  }
0x8e: {  	v3 =	vand.u32 $0x7, v3  }
0x8f: {  	v3 =	vor.u32 v3, v4  }
0x90: {  	v4 =	vperm.xlane v3, v0;
	_ =	sdelay $0x1  }
0x91: {  	v4 =	vadd.s32 v1, v4;
	_ =	sdelay $0x3  }
0x92: {  	s9 =	simm.s32 $0x12100;
	v3 =	vperm.xlane v3, v2  }
0x93: {  	[tilespmem:s9], [sflag:$0x1] =	stream.indirect_vreg.gather [hbm4b:s3+s2], $0x80, v4, vm0, $0xb8;
	[tilespmem:$0x18100] =	vst v63  }
0x94: {  	v3 =	vadd.s32 v1, v3;
	s9 =	simm.s32 $0x12900  }
0x95: {  	[tilespmem:s9], [sflag:$0x1] =	stream.indirect_vreg.gather [hbm4b:s4+s2], $0x80, v4, vm0, $0xb8;
	[tilespmem:$0x18100] =	vst v63  }
0x96: {  	s9 =	simm.s32 $0x13100  }
0x97: {  	[tilespmem:s9], [sflag:$0x1] =	stream.indirect_vreg.gather [hbm4b:s5+s2], $0x80, v4, vm0, $0xb8;
	[tilespmem:$0x18100] =	vst v63  }
0x98: {  	s9 =	simm.s32 $0x13900  }
0x99: {  	[tilespmem:s9], [sflag:$0x1] =	stream.indirect_vreg.gather [hbm4b:s3+s2], $0x80, v3, vm0, $0xb8;
	[tilespmem:$0x18100] =	vst v63  }
0x9a: {  	s9 =	simm.s32 $0x14100  }
0x9b: {  	[tilespmem:s9], [sflag:$0x1] =	stream.indirect_vreg.gather [hbm4b:s4+s2], $0x80, v3, vm0, $0xb8;
	[tilespmem:$0x18100] =	vst v63  }
0x9c: {  	s9 =	simm.s32 $0x14900  }
0x9d: {  	[tilespmem:s9], [sflag:$0x1] =	stream.indirect_vreg.gather [hbm4b:s5+s2], $0x80, v3, vm0, $0xb8;
	[tilespmem:$0x18100] =	vst v63  }
0x9e: {  	v3 =	vld [tilespmem:$0x70];
	_ =	sdelay $0x4  }
0x9f: {  	v55 =	vshrl.u32 v3, $0x3  }
0xa0: {  	v4 =	vmul.u32 $0x30, v55  }
0xa1: {  	v3 =	vand.u32 $0x7, v3  }
0xa2: {  	v3 =	vor.u32 v3, v4  }
0xa3: {  	v4 =	vperm.xlane v3, v0;
	_ =	sdelay $0x1  }
0xa4: {  	v4 =	vadd.s32 v1, v4;
	_ =	sdelay $0x3  }
0xa5: {  	s9 =	simm.s32 $0x15100;
	v3 =	vperm.xlane v3, v2  }
0xa6: {  	[tilespmem:s9], [sflag:$0x1] =	stream.indirect_vreg.gather [hbm4b:s3+s2], $0x80, v4, vm0, $0xb8;
	[tilespmem:$0x18100] =	vst v63  }
0xa7: {  	v3 =	vadd.s32 v1, v3;
	s9 =	simm.s32 $0x15900  }
0xa8: {  	[tilespmem:s9], [sflag:$0x1] =	stream.indirect_vreg.gather [hbm4b:s4+s2], $0x80, v4, vm0, $0xb8;
	[tilespmem:$0x18100] =	vst v63  }
0xa9: {  	s9 =	simm.s32 $0x16100  }
0xaa: {  	[tilespmem:s9], [sflag:$0x1] =	stream.indirect_vreg.gather [hbm4b:s5+s2], $0x80, v4, vm0, $0xb8;
	[tilespmem:$0x18100] =	vst v63  }
0xab: {  	s9 =	simm.s32 $0x16900  }
0xac: {  	[tilespmem:s9], [sflag:$0x1] =	stream.indirect_vreg.gather [hbm4b:s3+s2], $0x80, v3, vm0, $0xb8;
	[tilespmem:$0x18100] =	vst v63  }
0xad: {  	s9 =	simm.s32 $0x17100  }
0xae: {  	[tilespmem:s9], [sflag:$0x1] =	stream.indirect_vreg.gather [hbm4b:s4+s2], $0x80, v3, vm0, $0xb8;
	[tilespmem:$0x18100] =	vst v63  }
0xaf: {  	s9 =	simm.s32 $0x17900  }
0xb0: {  	[tilespmem:s9], [sflag:$0x1] =	stream.indirect_vreg.gather [hbm4b:s5+s2], $0x80, v3, vm0, $0xb8;
	[tilespmem:$0x18100] =	vst v63  }
0xb1: {  	_ =	swait.ge [sflag:s1], $0x18000  }
0xb2: {  	[sflag:s1] =	ssyncset.done $0x0  }
0xb3: {  	s0 =	simm.s32 $0x100;
	s9 =	rddreg [dreg:$0x4];
	[sflag:s1] =	ssyncadd.s32 $0xFFFE8000  }
0xb4: {  	[hbm4b:s9+s2] =	stream.linear.scatter [tilespmem:s0], [sflag:$0x2], $0x18000, $0x38;
	[tilespmem:$0x18100] =	vst v63  }
0xb5: {  	_ =	swait.ge [sflag:s7], $0x18000  }
0xb6: {  	[sflag:s7] =	ssyncset.done $0x0  }
0xb7: {  	[sflag:s7] =	ssyncadd.s32 $0xFFFE8000  }
0xb8: {  	v3 =	vld [tilespmem:$0x80];
	_ =	sdelay $0x4  }
0xb9: {  	v56 =	vshrl.u32 v3, $0x3  }
0xba: {  	v4 =	vmul.u32 $0x30, v56  }
0xbb: {  	v3 =	vand.u32 $0x7, v3  }
0xbc: {  	v3 =	vor.u32 v3, v4  }
0xbd: {  	v4 =	vperm.xlane v3, v0;
	_ =	sdelay $0x1  }
0xbe: {  	v4 =	vadd.s32 v1, v4;
	_ =	sdelay $0x3  }
0xbf: {  	v3 =	vperm.xlane v3, v2  }
0xc0: {  	[tilespmem:s0], [sflag:$0x1] =	stream.indirect_vreg.gather [hbm4b:s3+s2], $0x80, v4, vm0, $0xb8;
	[tilespmem:$0x18100] =	vst v63  }
0xc1: {  	v3 =	vadd.s32 v1, v3  }
0xc2: {  	[tilespmem:s10], [sflag:$0x1] =	stream.indirect_vreg.gather [hbm4b:s4+s2], $0x80, v4, vm0, $0xb8;
	[tilespmem:$0x18100] =	vst v63  }
0xc3: {  	_ = 	snop  }
0xc4: {  	[tilespmem:s11], [sflag:$0x1] =	stream.indirect_vreg.gather [hbm4b:s5+s2], $0x80, v4, vm0, $0xb8;
	[tilespmem:$0x18100] =	vst v63  }
0xc5: {  	_ = 	snop  }
0xc6: {  	[tilespmem:s12], [sflag:$0x1] =	stream.indirect_vreg.gather [hbm4b:s3+s2], $0x80, v3, vm0, $0xb8;
	[tilespmem:$0x18100] =	vst v63  }
0xc7: {  	_ = 	snop  }
0xc8: {  	[tilespmem:s13], [sflag:$0x1] =	stream.indirect_vreg.gather [hbm4b:s4+s2], $0x80, v3, vm0, $0xb8;
	[tilespmem:$0x18100] =	vst v63  }
0xc9: {  	_ = 	snop  }
0xca: {  	[tilespmem:s14], [sflag:$0x1] =	stream.indirect_vreg.gather [hbm4b:s5+s2], $0x80, v3, vm0, $0xb8;
	[tilespmem:$0x18100] =	vst v63  }
0xcb: {  	v3 =	vld [tilespmem:$0x90];
	_ =	sdelay $0x4  }
0xcc: {  	v57 =	vshrl.u32 v3, $0x3  }
0xcd: {  	v4 =	vmul.u32 $0x30, v57  }
0xce: {  	v3 =	vand.u32 $0x7, v3  }
0xcf: {  	v3 =	vor.u32 v3, v4  }
0xd0: {  	v4 =	vperm.xlane v3, v0;
	_ =	sdelay $0x1  }
0xd1: {  	v4 =	vadd.s32 v1, v4;
	_ =	sdelay $0x3  }
0xd2: {  	v3 =	vperm.xlane v3, v2  }
0xd3: {  	[tilespmem:s15], [sflag:$0x1] =	stream.indirect_vreg.gather [hbm4b:s3+s2], $0x80, v4, vm0, $0xb8;
	[tilespmem:$0x18100] =	vst v63  }
0xd4: {  	v3 =	vadd.s32 v1, v3  }
0xd5: {  	[tilespmem:s16], [sflag:$0x1] =	stream.indirect_vreg.gather [hbm4b:s4+s2], $0x80, v4, vm0, $0xb8;
	[tilespmem:$0x18100] =	vst v63  }
0xd6: {  	_ = 	snop  }
0xd7: {  	[tilespmem:s17], [sflag:$0x1] =	stream.indirect_vreg.gather [hbm4b:s5+s2], $0x80, v4, vm0, $0xb8;
	[tilespmem:$0x18100] =	vst v63  }
0xd8: {  	_ = 	snop  }
0xd9: {  	[tilespmem:s18], [sflag:$0x1] =	stream.indirect_vreg.gather [hbm4b:s3+s2], $0x80, v3, vm0, $0xb8;
	[tilespmem:$0x18100] =	vst v63  }
0xda: {  	_ = 	snop  }
0xdb: {  	[tilespmem:s19], [sflag:$0x1] =	stream.indirect_vreg.gather [hbm4b:s4+s2], $0x80, v3, vm0, $0xb8;
	[tilespmem:$0x18100] =	vst v63  }
0xdc: {  	_ = 	snop  }
0xdd: {  	[tilespmem:s20], [sflag:$0x1] =	stream.indirect_vreg.gather [hbm4b:s5+s2], $0x80, v3, vm0, $0xb8;
	[tilespmem:$0x18100] =	vst v63  }
0xde: {  	v3 =	vld [tilespmem:$0xA0];
	_ =	sdelay $0x4  }
0xdf: {  	v58 =	vshrl.u32 v3, $0x3  }
0xe0: {  	v4 =	vmul.u32 $0x30, v58  }
0xe1: {  	v3 =	vand.u32 $0x7, v3  }
0xe2: {  	v3 =	vor.u32 v3, v4  }
0xe3: {  	v4 =	vperm.xlane v3, v0;
	_ =	sdelay $0x1  }
0xe4: {  	v4 =	vadd.s32 v1, v4;
	_ =	sdelay $0x3  }
0xe5: {  	v3 =	vperm.xlane v3, v2  }
0xe6: {  	[tilespmem:s21], [sflag:$0x1] =	stream.indirect_vreg.gather [hbm4b:s3+s2], $0x80, v4, vm0, $0xb8;
	[tilespmem:$0x18100] =	vst v63  }
0xe7: {  	v3 =	vadd.s32 v1, v3  }
0xe8: {  	[tilespmem:s22], [sflag:$0x1] =	stream.indirect_vreg.gather [hbm4b:s4+s2], $0x80, v4, vm0, $0xb8;
	[tilespmem:$0x18100] =	vst v63  }
0xe9: {  	_ = 	snop  }
0xea: {  	[tilespmem:s23], [sflag:$0x1] =	stream.indirect_vreg.gather [hbm4b:s5+s2], $0x80, v4, vm0, $0xb8;
	[tilespmem:$0x18100] =	vst v63  }
0xeb: {  	_ = 	snop  }
0xec: {  	[tilespmem:s24], [sflag:$0x1] =	stream.indirect_vreg.gather [hbm4b:s3+s2], $0x80, v3, vm0, $0xb8;
	[tilespmem:$0x18100] =	vst v63  }
0xed: {  	_ = 	snop  }
0xee: {  	[tilespmem:s25], [sflag:$0x1] =	stream.indirect_vreg.gather [hbm4b:s4+s2], $0x80, v3, vm0, $0xb8;
	[tilespmem:$0x18100] =	vst v63  }
0xef: {  	_ = 	snop  }
0xf0: {  	[tilespmem:s26], [sflag:$0x1] =	stream.indirect_vreg.gather [hbm4b:s5+s2], $0x80, v3, vm0, $0xb8;
	[tilespmem:$0x18100] =	vst v63  }
0xf1: {  	v3 =	vld [tilespmem:$0xB0];
	_ =	sdelay $0x4  }
0xf2: {  	v59 =	vshrl.u32 v3, $0x3  }
0xf3: {  	v4 =	vmul.u32 $0x30, v59  }
0xf4: {  	v3 =	vand.u32 $0x7, v3  }
0xf5: {  	v3 =	vor.u32 v3, v4  }
0xf6: {  	v4 =	vperm.xlane v3, v0;
	_ =	sdelay $0x1  }
0xf7: {  	v4 =	vadd.s32 v1, v4;
	_ =	sdelay $0x3  }
0xf8: {  	v3 =	vperm.xlane v3, v2  }
0xf9: {  	[tilespmem:s28], [sflag:$0x1] =	stream.indirect_vreg.gather [hbm4b:s3+s2], $0x80, v4, vm0, $0xb8;
	[tilespmem:$0x18100] =	vst v63  }
0xfa: {  	v3 =	vadd.s32 v1, v3  }
0xfb: {  	[tilespmem:s29], [sflag:$0x1] =	stream.indirect_vreg.gather [hbm4b:s4+s2], $0x80, v4, vm0, $0xb8;
	[tilespmem:$0x18100] =	vst v63  }
0xfc: {  	_ = 	snop  }
0xfd: {  	[tilespmem:s30], [sflag:$0x1] =	stream.indirect_vreg.gather [hbm4b:s5+s2], $0x80, v4, vm0, $0xb8;
	[tilespmem:$0x18100] =	vst v63  }
0xfe: {  	_ = 	snop  }
0xff: {  	[tilespmem:s31], [sflag:$0x1] =	stream.indirect_vreg.gather [hbm4b:s3+s2], $0x80, v3, vm0, $0xb8;
	[tilespmem:$0x18100] =	vst v63  }
0x100: {  	s9 =	simm.s32 $0xB100  }
0x101: {  	[tilespmem:s9], [sflag:$0x1] =	stream.indirect_vreg.gather [hbm4b:s4+s2], $0x80, v3, vm0, $0xb8;
	[tilespmem:$0x18100] =	vst v63  }
0x102: {  	_ = 	snop  }
0x103: {  	[tilespmem:s8], [sflag:$0x1] =	stream.indirect_vreg.gather [hbm4b:s5+s2], $0x80, v3, vm0, $0xb8;
	[tilespmem:$0x18100] =	vst v63  }
0x104: {  	v3 =	vld [tilespmem:$0xC0];
	_ =	sdelay $0x4  }
0x105: {  	v60 =	vshrl.u32 v3, $0x3  }
0x106: {  	v4 =	vmul.u32 $0x30, v60  }
0x107: {  	v3 =	vand.u32 $0x7, v3  }
0x108: {  	v3 =	vor.u32 v3, v4  }
0x109: {  	v4 =	vperm.xlane v3, v0;
	_ =	sdelay $0x1  }
0x10a: {  	v4 =	vadd.s32 v1, v4;
	_ =	sdelay $0x3  }
0x10b: {  	s9 =	simm.s32 $0xC100;
	v3 =	vperm.xlane v3, v2  }
0x10c: {  	[tilespmem:s9], [sflag:$0x1] =	stream.indirect_vreg.gather [hbm4b:s3+s2], $0x80, v4, vm0, $0xb8;
	[tilespmem:$0x18100] =	vst v63  }
0x10d: {  	v3 =	vadd.s32 v1, v3;
	s9 =	simm.s32 $0xC900  }
0x10e: {  	[tilespmem:s9], [sflag:$0x1] =	stream.indirect_vreg.gather [hbm4b:s4+s2], $0x80, v4, vm0, $0xb8;
	[tilespmem:$0x18100] =	vst v63  }
0x10f: {  	s9 =	simm.s32 $0xD100  }
0x110: {  	[tilespmem:s9], [sflag:$0x1] =	stream.indirect_vreg.gather [hbm4b:s5+s2], $0x80, v4, vm0, $0xb8;
	[tilespmem:$0x18100] =	vst v63  }
0x111: {  	s9 =	simm.s32 $0xD900  }
0x112: {  	[tilespmem:s9], [sflag:$0x1] =	stream.indirect_vreg.gather [hbm4b:s3+s2], $0x80, v3, vm0, $0xb8;
	[tilespmem:$0x18100] =	vst v63  }
0x113: {  	s9 =	simm.s32 $0xE100  }
0x114: {  	[tilespmem:s9], [sflag:$0x1] =	stream.indirect_vreg.gather [hbm4b:s4+s2], $0x80, v3, vm0, $0xb8;
	[tilespmem:$0x18100] =	vst v63  }
0x115: {  	s9 =	simm.s32 $0xE900  }
0x116: {  	[tilespmem:s9], [sflag:$0x1] =	stream.indirect_vreg.gather [hbm4b:s5+s2], $0x80, v3, vm0, $0xb8;
	[tilespmem:$0x18100] =	vst v63  }
0x117: {  	v3 =	vld [tilespmem:$0xD0];
	_ =	sdelay $0x4  }
0x118: {  	v61 =	vshrl.u32 v3, $0x3  }
0x119: {  	v4 =	vmul.u32 $0x30, v61  }
0x11a: {  	v3 =	vand.u32 $0x7, v3  }
0x11b: {  	v3 =	vor.u32 v3, v4  }
0x11c: {  	v4 =	vperm.xlane v3, v0;
	_ =	sdelay $0x1  }
0x11d: {  	v4 =	vadd.s32 v1, v4;
	_ =	sdelay $0x3  }
0x11e: {  	s9 =	simm.s32 $0xF100;
	v3 =	vperm.xlane v3, v2  }
0x11f: {  	[tilespmem:s9], [sflag:$0x1] =	stream.indirect_vreg.gather [hbm4b:s3+s2], $0x80, v4, vm0, $0xb8;
	[tilespmem:$0x18100] =	vst v63  }
0x120: {  	v3 =	vadd.s32 v1, v3;
	s9 =	simm.s32 $0xF900  }
0x121: {  	[tilespmem:s9], [sflag:$0x1] =	stream.indirect_vreg.gather [hbm4b:s4+s2], $0x80, v4, vm0, $0xb8;
	[tilespmem:$0x18100] =	vst v63  }
0x122: {  	s9 =	simm.s32 $0x10100  }
0x123: {  	[tilespmem:s9], [sflag:$0x1] =	stream.indirect_vreg.gather [hbm4b:s5+s2], $0x80, v4, vm0, $0xb8;
	[tilespmem:$0x18100] =	vst v63  }
0x124: {  	s9 =	simm.s32 $0x10900  }
0x125: {  	[tilespmem:s9], [sflag:$0x1] =	stream.indirect_vreg.gather [hbm4b:s3+s2], $0x80, v3, vm0, $0xb8;
	[tilespmem:$0x18100] =	vst v63  }
0x126: {  	s9 =	simm.s32 $0x11100  }
0x127: {  	[tilespmem:s9], [sflag:$0x1] =	stream.indirect_vreg.gather [hbm4b:s4+s2], $0x80, v3, vm0, $0xb8;
	[tilespmem:$0x18100] =	vst v63  }
0x128: {  	s9 =	simm.s32 $0x11900  }
0x129: {  	[tilespmem:s9], [sflag:$0x1] =	stream.indirect_vreg.gather [hbm4b:s5+s2], $0x80, v3, vm0, $0xb8;
	[tilespmem:$0x18100] =	vst v63  }
0x12a: {  	v3 =	vld [tilespmem:$0xE0];
	_ =	sdelay $0x4  }
0x12b: {  	v62 =	vshrl.u32 v3, $0x3  }
0x12c: {  	v4 =	vmul.u32 $0x30, v62  }
0x12d: {  	v3 =	vand.u32 $0x7, v3  }
0x12e: {  	v3 =	vor.u32 v3, v4  }
0x12f: {  	v4 =	vperm.xlane v3, v0;
	_ =	sdelay $0x1  }
0x130: {  	v4 =	vadd.s32 v1, v4;
	_ =	sdelay $0x3  }
0x131: {  	s9 =	simm.s32 $0x12100;
	v3 =	vperm.xlane v3, v2  }
0x132: {  	[tilespmem:s9], [sflag:$0x1] =	stream.indirect_vreg.gather [hbm4b:s3+s2], $0x80, v4, vm0, $0xb8;
	[tilespmem:$0x18100] =	vst v63  }
0x133: {  	v3 =	vadd.s32 v1, v3;
	s9 =	simm.s32 $0x12900  }
0x134: {  	[tilespmem:s9], [sflag:$0x1] =	stream.indirect_vreg.gather [hbm4b:s4+s2], $0x80, v4, vm0, $0xb8;
	[tilespmem:$0x18100] =	vst v63  }
0x135: {  	s9 =	simm.s32 $0x13100  }
0x136: {  	[tilespmem:s9], [sflag:$0x1] =	stream.indirect_vreg.gather [hbm4b:s5+s2], $0x80, v4, vm0, $0xb8;
	[tilespmem:$0x18100] =	vst v63  }
0x137: {  	s9 =	simm.s32 $0x13900  }
0x138: {  	[tilespmem:s9], [sflag:$0x1] =	stream.indirect_vreg.gather [hbm4b:s3+s2], $0x80, v3, vm0, $0xb8;
	[tilespmem:$0x18100] =	vst v63  }
0x139: {  	s9 =	simm.s32 $0x14100  }
0x13a: {  	[tilespmem:s9], [sflag:$0x1] =	stream.indirect_vreg.gather [hbm4b:s4+s2], $0x80, v3, vm0, $0xb8;
	[tilespmem:$0x18100] =	vst v63  }
0x13b: {  	s9 =	simm.s32 $0x14900  }
0x13c: {  	[tilespmem:s9], [sflag:$0x1] =	stream.indirect_vreg.gather [hbm4b:s5+s2], $0x80, v3, vm0, $0xb8;
	[tilespmem:$0x18100] =	vst v63  }
0x13d: {  	v3 =	vld [tilespmem:$0xF0];
	_ =	sdelay $0x4  }
0x13e: {  	v63 =	vshrl.u32 v3, $0x3  }
0x13f: {  	v4 =	vmul.u32 $0x30, v63  }
0x140: {  	v3 =	vand.u32 $0x7, v3  }
0x141: {  	v3 =	vor.u32 v3, v4  }
0x142: {  	v4 =	vperm.xlane v3, v0;
	_ =	sdelay $0x1  }
0x143: {  	v4 =	vadd.s32 v1, v4;
	_ =	sdelay $0x3  }
0x144: {  	s9 =	simm.s32 $0x15100;
	v3 =	vperm.xlane v3, v2  }
0x145: {  	[tilespmem:s9], [sflag:$0x1] =	stream.indirect_vreg.gather [hbm4b:s3+s2], $0x80, v4, vm0, $0xb8;
	[tilespmem:$0x18100] =	vst v63  }
0x146: {  	v3 =	vadd.s32 v1, v3;
	s9 =	simm.s32 $0x15900  }
0x147: {  	[tilespmem:s9], [sflag:$0x1] =	stream.indirect_vreg.gather [hbm4b:s4+s2], $0x80, v4, vm0, $0xb8;
	[tilespmem:$0x18100] =	vst v63  }
0x148: {  	s9 =	simm.s32 $0x16100  }
0x149: {  	[tilespmem:s9], [sflag:$0x1] =	stream.indirect_vreg.gather [hbm4b:s5+s2], $0x80, v4, vm0, $0xb8;
	[tilespmem:$0x18100] =	vst v63  }
0x14a: {  	s9 =	simm.s32 $0x16900  }
0x14b: {  	[tilespmem:s9], [sflag:$0x1] =	stream.indirect_vreg.gather [hbm4b:s3+s2], $0x80, v3, vm0, $0xb8;
	[tilespmem:$0x18100] =	vst v63  }
0x14c: {  	s9 =	simm.s32 $0x17100  }
0x14d: {  	[tilespmem:s9], [sflag:$0x1] =	stream.indirect_vreg.gather [hbm4b:s4+s2], $0x80, v3, vm0, $0xb8;
	[tilespmem:$0x18100] =	vst v63  }
0x14e: {  	s9 =	simm.s32 $0x17900  }
0x14f: {  	[tilespmem:s9], [sflag:$0x1] =	stream.indirect_vreg.gather [hbm4b:s5+s2], $0x80, v3, vm0, $0xb8;
	[tilespmem:$0x18100] =	vst v63  }
0x150: {  	_ =	swait.ge [sflag:s1], $0x18000  }
0x151: {  	p0 =	sne.s32 s6, $0x1;
	s0 =	simm.s32 $0x100;
	[sflag:s1] =	ssyncset.done $0x0  }
.Ltmp0:
0x152: {  	s9 =	rddreg [dreg:$0x5];
	[sflag:s1] =	ssyncadd.s32 $0xFFFE8000;
	(pc) =	sbr.rel @p0 .LBB2_1-.Ltmp0, $4  }
0x153: {  	[hbm4b:s9+s2] =	stream.linear.scatter [tilespmem:s0], [sflag:$0x2], $0x18000, $0x38;
	[tilespmem:$0x18100] =	vst v63  }
0x154: {  	_ =	swait.ge [sflag:s7], $0x18000  }
0x155: {  	[sflag:s7] =	ssyncset.done $0x0  }
0x156: {  	s6 =	sadd.s32 $0xFFFFFFFF, s6;
	[sflag:s7] =	ssyncadd.s32 $0xFFFE8000  }
0x157: {  	_ =	sfence.sel $0x180000  }
0x158: {  	[bflag:$0x0] =	sbarrier.arrive $0xFFFF  }
0x159: {  	_ =	strace $0x9000004A  }
0x15a: {  	s0 =	stileid.u32;
	[bflag:$0x2] =	sbarrier.arrive $0xFFFF  }
0x15b: {  	p0 =	sne.s32 s0, $0x0;
	s0 =	rddreg [dreg:$0x2]  }
0x15c: {  	s0 =	sadd.s32 @!p0 $0x100000, s0  }
0x15d: {  	[sflag:s0] =	ssyncadd.tile.s32 @!p0 $0x1;
	_ =	shalt  }
.Lfunc_end2:
_tile_overlayer_lowered:
.L_overlay_start_2:
0x15e: {  	(tag) =	ssettag $0x2  }
0x15f: {  	s0 =	rddreg [dreg:$0x0];
	s2 =	stileid.u32  }
0x160: {  	s1 =	rddreg [dreg:$0x1];
	p0 =	sne.s32 s2, $0x0  }
0x161: {  	s3 =	rddreg [dreg:$0x2];
	[bflag:$0x3] =	sbarrier.arrive $0xFFFF;
	s2 =	simm.s32 @!p0 $0x1C02  }
0x162: {  	[timem:s3], [sflag:s2] =	dma.local @!p0 [hbm:s0], s1  }
0x163: {  	s0 =	simm.s32 @!p0 $0x2  }
0x164: {  	_ =	swait.ge @!p0 [sflag:s0], s1  }
0x165: {  	s1 =	ssub.s32 @!p0 $0x0, s1;
	[sflag:s0] =	ssyncset.done @!p0 $0x0  }
0x166: {  	[sflag:s0] =	ssyncadd.s32 @!p0 s1  }
0x167: {  	[bflag:$0x3] =	sbarrier.arrive $0xFFFF  }
0x168: {  	_ =	shalt  }

// kernel: kernel.7.cloned.1.call-start
scs
__scs_entry_jumppad:
0x0: {  	(pc) =	sbr.rel $0x88, $3  }
0x1: {  	(tag) =	ssettag $0x0;
	lr =	simm.s32 $0x1  }
0x2: {  	[smem:$0x3F9D] =	sst lr;
	_ =	strace $0xD0000000  }
0x3: {  	_ = 	snop  }
0x4: {  	_ = 	snop  }
0x5: {  	_ = 	snop  }
0x6: {  	_ = 	snop  }
0x7: {  	_ = 	snop  }
__scs_overlays_trampoline_lowered:
0x8: {  	[smem:$0x3FAC] =	sst s0  }
0x9: {  	[smem:$0x3FAD] =	sst s1  }
0xa: {  	[smem:$0x3FAE] =	sst s2  }
0xb: {  	[smem:$0x3FAF] =	sst s3  }
0xc: {  	[smem:$0x3FB0] =	sst s4  }
0xd: {  	[smem:$0x3FB1] =	sst s5  }
0xe: {  	[smem:$0x3FB2] =	sst s6  }
0xf: {  	[smem:$0x3FB3] =	sst s7  }
0x10: {  	[smem:$0x3FB4] =	sst s8  }
0x11: {  	[smem:$0x3FB5] =	sst s9;
	s0 =	simm.s32 @!p0 $0x0  }
0x12: {  	s1 =	sld [smem:$0x3F9B];
	s0 =	simm.s32 @p0 $0x1  }
0x13: {  	[smem:$0x3FB6] =	sst s0;
	s0 =	simm.s32 @!p1 $0x0  }
0x14: {  	s2 =	sld [smem:$0x3F9A];
	s0 =	simm.s32 @p1 $0x1  }
0x15: {  	[smem:$0x3FB7] =	sst s0;
	s0 =	simm.s32 @!p2 $0x0  }
0x16: {  	s3 =	sld [smem:$0x3FDB];
	s0 =	simm.s32 @p2 $0x1  }
0x17: {  	s4 =	simm.s32 $0x1BF5;
	[smem:$0x3FB9] =	sst s0  }
0x18: {  	s0 =	sld [smem:$0x3F9C];
	_ =	swait.ge [sflag:s4], $0x0  }
0x19: {  	s7 =	sld [smem:$0x3F9D]  }
0x1a: {  	s8 =	sadd.s32 $0xFFFFE003, lr  }
0x1b: {  	s9 =	sadd.s32 $0xFFFFFEF7, lr;
	s5 =	simm.s32 $0xFFFFFFFF;
	p2 =	slt.u32 s8, $0xFFFFF086  }
0x1c: {  	p1 =	slt.u32 s9, $0xF7A;
	s5 =	simm.s32 @!p2 $0x0  }
0x1d: {  	s5 =	simm.s32 @p1 $0x1;
	p0 =	seq.s32 s7, s2  }
0x1e: {  	s7 =	smul.u32 @!p0 $0xF7A, s2;
	p2 =	seq.s32 @!p0 s5, $0x0  }
0x1f: {  	s9 =	smul.u32 $0xF7A, s1;
	s8 =	simm.s32 @!p0 $0x1BF5;
	p2 =	por !p2, p0  }
0x20: {  	[sflag:s8] =	ssyncset.s32 @!p0 $0xFFFFF086;
	s6 =	sadd.s32 @!p0 s3, s7;
	s7 =	simm.s32 @!p0 $0x108  }
0x21: {  	s3 =	sadd.s32 s3, s9;
	s6 =	sadd.s32 @!p0 $0x88, s6;
	s7 =	simm.s32 @p2 $0x1082  }
0x22: {  	[simem:s7], [sflag:s8] =	dma.local @!p0 [hbm:s6], $0xF7A  }
0x23: {  	s9 =	sor.u32 $0xD0000000, s2;
	s6 =	simm.s32 $0x108;
	_ =	swait.ge @!p0 [sflag:s8], $0x0  }
0x24: {  	s3 =	sadd.s32 $0x88, s3;
	s6 =	simm.s32 @!p1 $0x1082;
	[sflag:s4] =	ssyncset.s32 $0xFFFFF086  }
0x25: {  	[simem:s6], [sflag:s4] =	dma.local [hbm:s3], $0xF7A  }
0x26: {  	[smem:$0x3F9D] =	sst s1;
	(tag) =	ssettag s2;
	_ =	strace s9  }
0x27: {  	s1 =	sld [smem:$0x3FAD]  }
0x28: {  	s2 =	sld [smem:$0x3FAE]  }
0x29: {  	s4 =	sld [smem:$0x3FB0]  }
0x2a: {  	p0 =	seq.s32 s5, $0x0;
	s5 =	sld [smem:$0x3FB1]  }
0x2b: {  	s6 =	sld [smem:$0x3FB2]  }
0x2c: {  	s7 =	sld [smem:$0x3FB3]  }
0x2d: {  	s3 =	simm.s32 $0x108;
	s8 =	sld [smem:$0x3FB4]  }
0x2e: {  	s3 =	simm.s32 @!p0 $0x1082;
	s9 =	sld [smem:$0x3FB5]  }
0x2f: {  	lr =	sadd.s32 s0, s3;
	s0 =	sld [smem:$0x3FAC]  }
0x30: {  	s3 =	sld [smem:$0x3FAF]  }
0x31: {  	[smem:$0x3FB8] =	sst s10  }
0x32: {  	s10 =	sld [smem:$0x3FB6];
	_ =	sdelay $0x3  }
0x33: {  	p0 =	seq.s32 s10, $0x1;
	s10 =	sld [smem:$0x3FB8];
	_ =	sdelay $0x3  }
0x34: {  	[smem:$0x3FB8] =	sst s10  }
0x35: {  	s10 =	sld [smem:$0x3FB7];
	_ =	sdelay $0x3  }
0x36: {  	p1 =	seq.s32 s10, $0x1;
	s10 =	sld [smem:$0x3FB8];
	_ =	sdelay $0x3  }
0x37: {  	[smem:$0x3FB8] =	sst s10  }
0x38: {  	s10 =	sld [smem:$0x3FB9]  }
0x39: {  	_ = 	snop;
	(pc) =	sbr.ind lr, $3  }
0x3a: {  	_ = 	snop  }
0x3b: {  	_ = 	snop  }
0x3c: {  	p2 =	seq.s32 s10, $0x1;
	s10 =	sld [smem:$0x3FB8]  }
0x3d: {  	_ =	shalt  }
0x3e: {  	_ =	shalt  }
0x3f: {  	_ =	shalt  }
0x40: {  	_ =	shalt  }
0x41: {  	_ =	shalt  }
0x42: {  	_ =	shalt  }
0x43: {  	_ =	shalt  }
0x44: {  	_ =	shalt  }
0x45: {  	_ =	shalt  }
0x46: {  	_ =	shalt  }
0x47: {  	_ =	shalt  }
0x48: {  	_ =	shalt  }
0x49: {  	_ =	shalt  }
0x4a: {  	_ =	shalt  }
0x4b: {  	_ =	shalt  }
0x4c: {  	_ =	shalt  }
0x4d: {  	_ =	shalt  }
0x4e: {  	_ =	shalt  }
0x4f: {  	_ =	shalt  }
0x50: {  	_ =	shalt  }
0x51: {  	_ =	shalt  }
0x52: {  	_ =	shalt  }
0x53: {  	_ =	shalt  }
0x54: {  	_ =	shalt  }
0x55: {  	_ =	shalt  }
0x56: {  	_ =	shalt  }
0x57: {  	_ =	shalt  }
0x58: {  	_ =	shalt  }
0x59: {  	_ =	shalt  }
0x5a: {  	_ =	shalt  }
0x5b: {  	_ =	shalt  }
0x5c: {  	_ =	shalt  }
0x5d: {  	_ =	shalt  }
0x5e: {  	_ =	shalt  }
0x5f: {  	_ =	shalt  }
0x60: {  	_ =	shalt  }
0x61: {  	_ =	shalt  }
0x62: {  	_ =	shalt  }
0x63: {  	_ =	shalt  }
0x64: {  	_ =	shalt  }
0x65: {  	_ =	shalt  }
0x66: {  	_ =	shalt  }
0x67: {  	_ =	shalt  }
0x68: {  	_ =	shalt  }
0x69: {  	_ =	shalt  }
0x6a: {  	_ =	shalt  }
0x6b: {  	_ =	shalt  }
0x6c: {  	_ =	shalt  }
0x6d: {  	_ =	shalt  }
0x6e: {  	_ =	shalt  }
0x6f: {  	_ =	shalt  }
0x70: {  	_ =	shalt  }
0x71: {  	_ =	shalt  }
0x72: {  	_ =	shalt  }
0x73: {  	_ =	shalt  }
0x74: {  	_ =	shalt  }
0x75: {  	_ =	shalt  }
0x76: {  	_ =	shalt  }
0x77: {  	_ =	shalt  }
0x78: {  	_ =	shalt  }
0x79: {  	_ =	shalt  }
0x7a: {  	_ =	shalt  }
0x7b: {  	_ =	shalt  }
0x7c: {  	_ =	shalt  }
0x7d: {  	_ =	shalt  }
0x7e: {  	_ =	shalt  }
0x7f: {  	_ =	shalt  }
0x80: {  	_ =	shalt  }
0x81: {  	_ =	shalt  }
0x82: {  	_ =	shalt  }
0x83: {  	_ =	shalt  }
0x84: {  	_ =	shalt  }
0x85: {  	_ =	shalt  }
0x86: {  	_ =	shalt  }
0x87: {  	_ =	shalt  }
.Lfunc_end0:
.L_simem_size_0:
called_computation_lowered:
.L_overlay_start_0:
0x88: {  	s2 =	sld [smem:$0x3FD9]  }
0x89: {  	s3 =	sld [smem:$0x3FFE];
	_ =	sdelay $0x1  }
0x8a: {  	s1 =	srdreg.scid  }
0x8b: {  	s0 =	sand.u32 $0x1, s1  }
0x8c: {  	s14 =	sshll.u32 s0, $0xA;
	s2 =	sadd.s32 s3, s2  }
0x8d: {  	s2 =	sadd.s32 s2, s14  }
0x8e: {  	[smem:$0x3FC4] =	sst s2  }
0x8f: {  	_ = 	snop  }
0x90: {  	s2 =	sld [smem:$0x3FD0];
	_ =	sdelay $0x2  }
0x91: {  	s4 =	simm.s32 $0xA;
	s5 =	simm.s32 $0x10;
	s15 =	sld [smem:$0x3FC9]  }
0x92: {  	[smem:s5], [sflag:s4] =	dma.local [hbm:s2], $0x1  }
0x93: {  	_ =	swait.eq [sflag:s4], $0x1  }
0x94: {  	[sflag:s4] =	ssyncset.done $0x0  }
0x95: {  	s16 =	sld [smem:$0x10];
	[sflag:s4] =	ssyncadd.s32 $0xFFFFFFFF  }
0x96: {  	s17 =	sld [smem:$0x11];
	(tm) =	ssettm $0x1  }
0x97: {  	s18 =	sld [smem:$0x3FFB];
	_ =	sdelay $0x3  }
0x98: {  	_ =	strace s18  }
0x99: {  	s5 =	sld [smem:$0x3FFC];
	_ =	sdelay $0x3  }
0x9a: {  	_ =	strace s5  }
0x9b: {  	s5 =	sld [smem:$0x3FFD];
	_ =	sdelay $0x3  }
0x9c: {  	_ =	strace s5  }
0x9d: {  	_ =	strace $0x8FFFFFFF  }
0x9e: {  	s19 =	sld [smem:$0x3FDB];
	_ =	sdelay $0x1  }
0x9f: {  	s6 =	simm.s32 $_scs_section_size  }
0xa0: {  	s7 =	simm.s32 $_size__tile_overlayer_lowered;
	s8 =	simm.s32 $_tile_overlayer_lowered  }
0xa1: {  	s22 =	simm.s32 $0x1BFF;
	s21 =	sshll.u32 s8, $0x1;
	s5 =	sadd.s32 s6, s19  }
0xa2: {  	s9 =	simm.s32 $0x0;
	s20 =	sshll.u32 s7, $0x1;
	s7 =	sadd.s32 s21, s5  }
0xa3: {  	[timem:s9], [sflag:s22] =	dma.local [hbm:s7], s20  }
0xa4: {  	_ =	swait.ge [sflag:s22], s20  }
0xa5: {  	s6 =	ssub.s32 $0x0, s20;
	[sflag:s22] =	ssyncset.done $0x0  }
0xa6: {  	[sflag:s22] =	ssyncadd.s32 s6;
	_ =	sdelay $0x1  }
0xa7: {  	s23 =	simm.s32 $0x1B8B  }
0xa8: {  	_ =	swait.ge [sflag:s23], $0x1  }
0xa9: {  	[sflag:s23] =	ssyncset.done $0x0  }
0xaa: {  	s25 =	simm.s32 $0x1B8E;
	s24 =	sld [smem:$0x3FFE];
	[sflag:s23] =	ssyncadd.s32 $0xFFFFFFFF  }
0xab: {  	s26 =	simm.s32 $execute0_lowered;
	[smem:$0x3FD2] =	sst s25  }
0xac: {  	s7 =	sshll.u32 s26, $0x1;
	_ =	strace $0x80000046;
	[dreg:$0x1] =	wrdreg $0xFFFFFFFF  }
0xad: {  	s28 =	simm.s32 $_size_execute0_lowered;
	s5 =	sadd.s32 s5, s7;
	[dreg:$0x0] =	wrdreg $0x0  }
0xae: {  	s7 =	sshll.u32 s28, $0x1;
	[dreg:$0x2] =	wrdreg s5  }
0xaf: {  	[dreg:$0x3] =	wrdreg s7  }
0xb0: {  	[dreg:$0x4] =	wrdreg $0xC0  }
0xb1: {  	_ =	task [dreg:s9], $0x5FFFF  }
0xb2: {  	[dreg:$0x1] =	wrdreg $0xFFFFFFFF  }
0xb3: {  	[dreg:$0x0] =	wrdreg $0x60  }
0xb4: {  	[dreg:$0x2] =	wrdreg s15  }
0xb5: {  	[dreg:$0x3] =	wrdreg s17  }
0xb6: {  	[dreg:$0x4] =	wrdreg s16  }
0xb7: {  	[dreg:$0x5] =	wrdreg s24  }
0xb8: {  	[dreg:$0x6] =	wrdreg $0x9  }
0xb9: {  	_ =	task.clear_ibuf [dreg:s9], $0x7FFFF;
	_ =	strace $0x90000046  }
0xba: {  	s29 =	simm.s32 $0x9;
	_ =	strace $0x80000048  }
0xbb: {  	_ =	swait.ge [sflag:s29], $0x1  }
0xbc: {  	[sflag:s29] =	ssyncadd.s32 $0xFFFFFFFF  }
0xbd: {  	_ =	strace $0x90000048  }
0xbe: {  	_ =	sfence  }
0xbf: {  	s30 =	sld [smem:$0x0];
	_ =	sdelay $0x2  }
0xc0: {  	s31 =	sshll.u32 s1, $0xD;
	s1 =	sshrl.u32 s1, $0x2  }
0xc1: {  	s3 =	sand.u32 $0x4000, s31;
	s1 =	sadd.s32 s1, s30  }
0xc2: {  	s0 =	sor.u32 s3, s0;
	s1 =	sshll.u32 s1, $0x11  }
0xc3: {  	s0 =	sor.u32 s1, s0  }
0xc4: {  	s0 =	sadd.s32 $0x8F2B, s0  }
0xc5: {  	[sflag:s0] =	ssyncadd.remote.s32 $0x1  }
0xc6: {  	_ =	sfence.sel $0xFFFF  }
0xc7: {  	[dreg:$0x0] =	wrdreg $0xFFFFFFFF;
	(pc) =	sbr.abs _section_cstart, $3  }
0xc8: {  	[dreg:$0x1] =	wrdreg $0xFFFFFFFF  }
0xc9: {  	_ =	task.clear_ibuf [dreg:s9], $0x2FFFF;
	_ =	strace $0x9FFFFFFF  }
0xca: {  	(tm) =	ssettm $0x7FFFFFFF  }
0xcb: {  	_ =	shalt  }
tec
execute0_lowered:
.L_overlay_start_1:
0x0: {  	(tag) =	ssettag $0x1  }
0x1: {  	v0 =	vimm.s32 $0x3780;
	vm15 =	vcmask $0x300  }
0x2: {  	vm14 =	vcmask $0x704;
	vm13 =	vcmask $0xB08;
	vm12 =	vcmask $0xF0C  }
0x3: {  	vm11 =	vcmask $0x1310;
	vm10 =	vcmask $0x1714;
	vm9 =	vcmask $0x1B18  }
0x4: {  	vm8 =	vcmask $0x1F1C;
	vm7 =	vcmask $0x2320;
	vm6 =	vcmask $0x2724  }
0x5: {  	vm5 =	vcmask $0x2B28;
	vm4 =	vcmask $0x2F2C;
	vm1 =	vcmask $0x3330  }
0x6: {  	vm2 =	vcmask $0x3734;
	vm3 =	vcmask $0x3B38;
	v1 =	vimm.s32 $0x6F80  }
0x7: {  	s0 =	rddreg [dreg:$0x0];
	vm0 =	vmmov $0xffff;
	v2 =	vimm.s32 $0xA780;
	v3 =	vimm.s32 $0xDF80  }
0x8: {  	s1 =	rddreg [dreg:$0x1];
	v6 =	vlaneseq.u32;
	v0 =	vsel vm15, $0x1800, v0;
	v1 =	vsel vm15, $0x5000, v1  }
0x9: {  	s3 =	rddreg [dreg:$0x2];
	v2 =	vsel vm15, $0x8800, v2;
	v3 =	vsel vm15, $0xC000, v3;
	v4 =	vand.u32 $0x7, v6  }
0xa: {  	s7 =	rddreg [dreg:$0x3];
	v5 =	vshrl.u32 v6, $0x3;
	v6 =	vor.u32 $0x8, v6;
	v0 =	vsel vm14, $0x1880, v0  }
0xb: {  	s4 =	srdreg.scid;
	s5 =	stileid.u32;
	v1 =	vsel vm14, $0x5080, v1;
	v2 =	vsel vm14, $0x8880, v2;
	v3 =	vsel vm14, $0xC080, v3  }
0xc: {  	s2 =	simm.s32 $0x0;
	s22 =	simm.s32 $0x200;
	s13 =	simm.s32 $0x400;
	v5 =	vmul.u32 $0x8, v5;
	v0 =	vsel vm13, $0x1900, v0;
	v1 =	vsel vm13, $0x5100, v1  }
0xd: {  	s16 =	simm.s32 $0x3C00;
	s17 =	simm.s32 $0x5800;
	s18 =	simm.s32 $0x7400;
	v2 =	vsel vm13, $0x8900, v2;
	v3 =	vsel vm13, $0xC100, v3;
	v0 =	vsel vm12, $0x1980, v0  }
0xe: {  	s30 =	simm.s32 $0x3800;
	s31 =	simm.s32 $0x4400;
	s12 =	simm.s32 $0x13800;
	v1 =	vsel vm12, $0x5180, v1;
	v2 =	vsel vm12, $0x8980, v2;
	v3 =	vsel vm12, $0xC180, v3  }
0xf: {  	s14 =	simm.s32 $0x15400;
	s4 =	sand.u32 $0x1, s4;
	s5 =	sshll.u32 s5, $0x1;
	v0 =	vsel vm11, $0x1A00, v0;
	v1 =	vsel vm11, $0x5200, v1;
	v2 =	vsel vm11, $0x8A00, v2  }
0x10: {  	s28 =	simm.s32 $0x1A800;
	[smem:$0x7FF] =	sst s2;
	s5 =	sor.u32 s4, s5;
	v3 =	vsel vm11, $0xC200, v3;
	v0 =	vsel vm10, $0x1A80, v0;
	v1 =	vsel vm10, $0x5280, v1  }
0x11: {  	_ =	strace $0x80000047;
	s4 =	ssub.s32 $0x2, s4;
	[dreg:$0x7] =	wrdreg s22;
	v2 =	vsel vm10, $0x8A80, v2;
	v3 =	vsel vm10, $0xC280, v3;
	v0 =	vsel vm9, $0x1B00, v0  }
0x12: {  	s6 =	sshll.u32 s5, $0x6;
	s8 =	sshrl.u32 s4, $0x1;
	s9 =	smul.u32 $0x6000, s5;
	v1 =	vsel vm9, $0x5300, v1;
	v2 =	vsel vm9, $0x8B00, v2;
	v3 =	vsel vm9, $0xC300, v3  }
0x13: {  	s20 =	smul.u32 $0x30000, s5;
	s5 =	sadd.s32 $0x2100, s7;
	s1 =	sadd.s32 s1, s6;
	v0 =	vsel vm8, $0x1B80, v0;
	v1 =	vsel vm8, $0x5380, v1;
	v2 =	vsel vm8, $0x8B80, v2  }
0x14: {  	s19 =	sadd.s32 s3, s6;
	s3 =	sadd.s32 $0x2000, s7;
	s11 =	ssub.s32 s4, s8;
	v3 =	vsel vm8, $0xC380, v3;
	v0 =	vsel vm7, $0x3400, v0;
	v1 =	vsel vm7, $0x6C00, v1  }
0x15: {  	s6 =	sadd.s32 $0x2200, s7;
	s7 =	sadd.s32 $0x2300, s7;
	[dreg:$0x5] =	wrdreg s1;
	v2 =	vsel vm7, $0xA400, v2;
	v3 =	vsel vm7, $0xDC00, v3;
	v0 =	vsel vm6, $0x3480, v0  }
0x16: {  	s4 =	simm.s32 $0x11C00;
	[dreg:$0x6] =	wrdreg s19;
	s29 =	sadd.s32 s0, s9;
	v1 =	vsel vm6, $0x6C80, v1;
	v2 =	vsel vm6, $0xA480, v2;
	v3 =	vsel vm6, $0xDC80, v3  }
0x17: {  	s21 =	sshrl.u32 s20, $0x3;
	s11 =	smax.u32 s11, $0x1;
	s1 =	simm.s32 $0x2;
	v0 =	vsel vm5, $0x3500, v0;
	v1 =	vsel vm5, $0x6D00, v1;
	v2 =	vsel vm5, $0xA500, v2  }
0x18: {  	s19 =	simm.s32 $0x9000;
	s20 =	simm.s32 $0xAC00;
	s23 =	sadd.s32 $0x300, s29;
	v3 =	vsel vm5, $0xDD00, v3;
	v0 =	vsel vm4, $0x3580, v0;
	v1 =	vsel vm4, $0x6D80, v1  }
0x19: {  	s0 =	sadd.s32 s0, s21;
	s24 =	sadd.s32 $0x600, s29;
	[dreg:$0x8] =	wrdreg s23;
	v2 =	vsel vm4, $0xA580, v2;
	v3 =	vsel vm4, $0xDD80, v3;
	v0 =	vsel vm1, $0x3600, v0  }
0x1a: {  	s8 =	sadd.s32 $0x1800, s29;
	s25 =	sadd.s32 $0x900, s29;
	[dreg:$0x9] =	wrdreg s24;
	v1 =	vsel vm1, $0x6E00, v1;
	v2 =	vsel vm1, $0xA600, v2;
	v3 =	vsel vm1, $0xDE00, v3  }
0x1b: {  	s26 =	sadd.s32 $0xC00, s29;
	s21 =	simm.s32 $0x1;
	[dreg:$0xa] =	wrdreg s25;
	vm1 =	vmmov $0xff;
	v0 =	vsel vm2, $0x3680, v0;
	v1 =	vsel vm2, $0x6E80, v1  }
0x1c: {  	s9 =	sadd.s32 $0x3000, s0;
	s10 =	sadd.s32 $0x4800, s0;
	[dreg:$0xb] =	wrdreg s26;
	v2 =	vsel vm2, $0xA680, v2;
	v3 =	vsel vm2, $0xDE80, v3;
	v0 =	vsel vm3, $0x3700, v0  }
0x1d: {  	s24 =	simm.s32 $0xE400;
	s25 =	simm.s32 $0xC800;
	s26 =	simm.s32 $0x17000;
	v1 =	vsel vm3, $0x6F00, v1;
	v2 =	vsel vm3, $0xA700, v2;
	v3 =	vsel vm3, $0xDF00, v3  }
.LBB2_1:
0x1e: {  	s22 =	rddreg [dreg:$0x5];
	s0 =	simm.s32 $0x3  }
0x1f: {  	[tilespmem:s2], [sflag:$0x3] =	stream.linear.gather [hbm4b:s22+s2], $0x200, $0x38;
	[tilespmem:$0x1C400] =	vst v63  }
0x20: {  	_ =	swait.ge [sflag:s0], $0x200  }
0x21: {  	s15 =	rddreg [dreg:$0x6];
	[sflag:s0] =	ssyncset.done $0x0  }
0x22: {  	s23 =	rddreg [dreg:$0x7];
	[sflag:s0] =	ssyncadd.s32 $0xFFFFFE00  }
0x23: {  	[tilespmem:s23], [sflag:$0x3] =	stream.linear.gather [hbm4b:s15+s2], $0x200, $0x38;
	[tilespmem:$0x1C400] =	vst v63  }
0x24: {  	_ =	swait.ge [sflag:s0], $0x200  }
0x25: {  	[sflag:s0] =	ssyncset.done $0x0  }
0x26: {  	[sflag:s0] =	ssyncadd.s32 $0xFFFFFE00  }
0x27: {  	[tilespmem:s13], [sflag:$0x1] =	stream.linear.gather [hbm4b:s29+s2], $0x1800, $0x38;
	[tilespmem:$0x1C400] =	vst v63  }
0x28: {  	s15 =	simm.s32 $0x2000;
	s23 =	rddreg [dreg:$0x8]  }
0x29: {  	[tilespmem:s15], [sflag:$0x1] =	stream.linear.gather [hbm4b:s23+s2], $0x1800, $0x38;
	[tilespmem:$0x1C400] =	vst v63  }
0x2a: {  	s0 =	rddreg [dreg:$0x9]  }
0x2b: {  	[tilespmem:s16], [sflag:$0x1] =	stream.linear.gather [hbm4b:s0+s2], $0x1800, $0x38;
	[tilespmem:$0x1C400] =	vst v63  }
0x2c: {  	s22 =	rddreg [dreg:$0xa]  }
0x2d: {  	[tilespmem:s17], [sflag:$0x1] =	stream.linear.gather [hbm4b:s22+s2], $0x1800, $0x38;
	[tilespmem:$0x1C400] =	vst v63  }
0x2e: {  	s0 =	rddreg [dreg:$0xb]  }
0x2f: {  	[tilespmem:s18], [sflag:$0x1] =	stream.linear.gather [hbm4b:s0+s2], $0x1800, $0x38;
	[tilespmem:$0x1C400] =	vst v63  }
0x30: {  	s0 =	sadd.s32 $0xF00, s29  }
0x31: {  	[tilespmem:s19], [sflag:$0x1] =	stream.linear.gather [hbm4b:s0+s2], $0x1800, $0x38;
	[tilespmem:$0x1C400] =	vst v63  }
0x32: {  	s23 =	sadd.s32 $0x1200, s29  }
0x33: {  	[tilespmem:s20], [sflag:$0x1] =	stream.linear.gather [hbm4b:s23+s2], $0x1800, $0x38;
	[tilespmem:$0x1C400] =	vst v63  }
0x34: {  	s0 =	sadd.s32 $0x1500, s29  }
0x35: {  	[tilespmem:s25], [sflag:$0x1] =	stream.linear.gather [hbm4b:s0+s2], $0x1800, $0x38;
	[tilespmem:$0x1C400] =	vst v63  }
0x36: {  	_ =	swait.ge [sflag:s21], $0xC000  }
0x37: {  	[sflag:s21] =	ssyncset.done $0x0  }
0x38: {  	[sflag:s21] =	ssyncadd.s32 $0xFFFF4000  }
0x39: {  	v7 =	vld [tilespmem:$0x200];
	_ =	sdelay $0x4  }
0x3a: {  	[tilespmem:v0+s13+$0x0] =	vst.idx.msk $0xffff, v7  }
0x3b: {  	v7 =	vld [tilespmem:$0x210];
	_ =	sdelay $0x4  }
0x3c: {  	[tilespmem:v1+s13+$0x0] =	vst.idx.msk $0xffff, v7  }
0x3d: {  	v7 =	vld [tilespmem:$0x220];
	_ =	sdelay $0x4  }
0x3e: {  	[tilespmem:v2+s13+$0x0] =	vst.idx.msk $0xffff, v7  }
0x3f: {  	v7 =	vld [tilespmem:$0x230];
	_ =	sdelay $0x4  }
0x40: {  	[tilespmem:v3+s13+$0x0] =	vst.idx.msk $0xffff, v7  }
0x41: {  	v7 =	vld [tilespmem:$0x0];
	_ =	sdelay $0x4  }
0x42: {  	v8 =	vshrl.u32 v7, $0x3  }
0x43: {  	v8 =	vmul.u32 $0x38, v8  }
0x44: {  	v7 =	vand.u32 $0x7, v7  }
0x45: {  	v7 =	vor.u32 v7, v8  }
0x46: {  	v8 =	vperm.xlane v7, v4;
	_ =	sdelay $0x1  }
0x47: {  	v8 =	vadd.s32 v5, v8;
	_ =	sdelay $0x4  }
0x48: {  	[hbm4b:s3+s2] =	stream.indirect_vreg.scatter [tilespmem:s13], [sflag:$0x2], $0x80, v8, vm0, $0xb8;
	[tilespmem:$0x1C400] =	vst v63  }
0x49: {  	s23 =	simm.s32 $0xC00;
	v7 =	vperm.xlane v7, v6  }
0x4a: {  	[hbm4b:s5+s2] =	stream.indirect_vreg.scatter [tilespmem:s23], [sflag:$0x2], $0x80, v8, vm0, $0xb8;
	[tilespmem:$0x1C400] =	vst v63  }
0x4b: {  	s22 =	simm.s32 $0x1400;
	v7 =	vadd.s32 v5, v7  }
0x4c: {  	[hbm4b:s6+s2] =	stream.indirect_vreg.scatter [tilespmem:s22], [sflag:$0x2], $0x80, v8, vm0, $0xb8;
	[tilespmem:$0x1C400] =	vst v63  }
0x4d: {  	s23 =	simm.s32 $0x1C00  }
0x4e: {  	[hbm4b:s7+s2] =	stream.indirect_vreg.scatter [tilespmem:s23], [sflag:$0x2], $0x80, v8, vm1, $0xb8;
	[tilespmem:$0x1C400] =	vst v63  }
0x4f: {  	_ = 	snop  }
0x50: {  	[hbm4b:s3+s2] =	stream.indirect_vreg.scatter [tilespmem:s15], [sflag:$0x2], $0x80, v7, vm0, $0xb8;
	[tilespmem:$0x1C400] =	vst v63  }
0x51: {  	s22 =	simm.s32 $0x2800  }
0x52: {  	[hbm4b:s5+s2] =	stream.indirect_vreg.scatter [tilespmem:s22], [sflag:$0x2], $0x80, v7, vm0, $0xb8;
	[tilespmem:$0x1C400] =	vst v63  }
0x53: {  	s23 =	simm.s32 $0x3000  }
0x54: {  	[hbm4b:s6+s2] =	stream.indirect_vreg.scatter [tilespmem:s23], [sflag:$0x2], $0x80, v7, vm0, $0xb8;
	[tilespmem:$0x1C400] =	vst v63  }
0x55: {  	_ = 	snop  }
0x56: {  	[hbm4b:s7+s2] =	stream.indirect_vreg.scatter [tilespmem:s30], [sflag:$0x2], $0x80, v7, vm1, $0xb8;
	[tilespmem:$0x1C400] =	vst v63  }
0x57: {  	v7 =	vld [tilespmem:$0x10];
	_ =	sdelay $0x4  }
0x58: {  	v8 =	vshrl.u32 v7, $0x3  }
0x59: {  	v8 =	vmul.u32 $0x38, v8  }
0x5a: {  	v7 =	vand.u32 $0x7, v7  }
0x5b: {  	v7 =	vor.u32 v7, v8  }
0x5c: {  	v8 =	vperm.xlane v7, v4;
	_ =	sdelay $0x1  }
0x5d: {  	v8 =	vadd.s32 v5, v8;
	_ =	sdelay $0x4  }
0x5e: {  	[hbm4b:s3+s2] =	stream.indirect_vreg.scatter [tilespmem:s16], [sflag:$0x2], $0x80, v8, vm0, $0xb8;
	[tilespmem:$0x1C400] =	vst v63  }
0x5f: {  	v7 =	vperm.xlane v7, v6  }
0x60: {  	[hbm4b:s5+s2] =	stream.indirect_vreg.scatter [tilespmem:s31], [sflag:$0x2], $0x80, v8, vm0, $0xb8;
	[tilespmem:$0x1C400] =	vst v63  }
0x61: {  	s22 =	simm.s32 $0x4C00;
	v7 =	vadd.s32 v5, v7  }
0x62: {  	[hbm4b:s6+s2] =	stream.indirect_vreg.scatter [tilespmem:s22], [sflag:$0x2], $0x80, v8, vm0, $0xb8;
	[tilespmem:$0x1C400] =	vst v63  }
0x63: {  	s23 =	simm.s32 $0x5400  }
0x64: {  	[hbm4b:s7+s2] =	stream.indirect_vreg.scatter [tilespmem:s23], [sflag:$0x2], $0x80, v8, vm1, $0xb8;
	[tilespmem:$0x1C400] =	vst v63  }
0x65: {  	_ = 	snop  }
0x66: {  	[hbm4b:s3+s2] =	stream.indirect_vreg.scatter [tilespmem:s17], [sflag:$0x2], $0x80, v7, vm0, $0xb8;
	[tilespmem:$0x1C400] =	vst v63  }
0x67: {  	s22 =	simm.s32 $0x6000  }
0x68: {  	[hbm4b:s5+s2] =	stream.indirect_vreg.scatter [tilespmem:s22], [sflag:$0x2], $0x80, v7, vm0, $0xb8;
	[tilespmem:$0x1C400] =	vst v63  }
0x69: {  	s23 =	simm.s32 $0x6800  }
0x6a: {  	[hbm4b:s6+s2] =	stream.indirect_vreg.scatter [tilespmem:s23], [sflag:$0x2], $0x80, v7, vm0, $0xb8;
	[tilespmem:$0x1C400] =	vst v63  }
0x6b: {  	s22 =	simm.s32 $0x7000  }
0x6c: {  	[hbm4b:s7+s2] =	stream.indirect_vreg.scatter [tilespmem:s22], [sflag:$0x2], $0x80, v7, vm1, $0xb8;
	[tilespmem:$0x1C400] =	vst v63  }
0x6d: {  	v7 =	vld [tilespmem:$0x20];
	_ =	sdelay $0x4  }
0x6e: {  	v8 =	vshrl.u32 v7, $0x3  }
0x6f: {  	v8 =	vmul.u32 $0x38, v8  }
0x70: {  	v7 =	vand.u32 $0x7, v7  }
0x71: {  	v7 =	vor.u32 v7, v8  }
0x72: {  	v8 =	vperm.xlane v7, v4;
	_ =	sdelay $0x1  }
0x73: {  	v8 =	vadd.s32 v5, v8;
	_ =	sdelay $0x4  }
0x74: {  	[hbm4b:s3+s2] =	stream.indirect_vreg.scatter [tilespmem:s18], [sflag:$0x2], $0x80, v8, vm0, $0xb8;
	[tilespmem:$0x1C400] =	vst v63  }
0x75: {  	s23 =	simm.s32 $0x7C00;
	v7 =	vperm.xlane v7, v6  }
0x76: {  	[hbm4b:s5+s2] =	stream.indirect_vreg.scatter [tilespmem:s23], [sflag:$0x2], $0x80, v8, vm0, $0xb8;
	[tilespmem:$0x1C400] =	vst v63  }
0x77: {  	s22 =	simm.s32 $0x8400;
	v7 =	vadd.s32 v5, v7  }
0x78: {  	[hbm4b:s6+s2] =	stream.indirect_vreg.scatter [tilespmem:s22], [sflag:$0x2], $0x80, v8, vm0, $0xb8;
	[tilespmem:$0x1C400] =	vst v63  }
0x79: {  	s23 =	simm.s32 $0x8C00  }
0x7a: {  	[hbm4b:s7+s2] =	stream.indirect_vreg.scatter [tilespmem:s23], [sflag:$0x2], $0x80, v8, vm1, $0xb8;
	[tilespmem:$0x1C400] =	vst v63  }
0x7b: {  	_ = 	snop  }
0x7c: {  	[hbm4b:s3+s2] =	stream.indirect_vreg.scatter [tilespmem:s19], [sflag:$0x2], $0x80, v7, vm0, $0xb8;
	[tilespmem:$0x1C400] =	vst v63  }
0x7d: {  	s22 =	simm.s32 $0x9800  }
0x7e: {  	[hbm4b:s5+s2] =	stream.indirect_vreg.scatter [tilespmem:s22], [sflag:$0x2], $0x80, v7, vm0, $0xb8;
	[tilespmem:$0x1C400] =	vst v63  }
0x7f: {  	s23 =	simm.s32 $0xA000  }
0x80: {  	[hbm4b:s6+s2] =	stream.indirect_vreg.scatter [tilespmem:s23], [sflag:$0x2], $0x80, v7, vm0, $0xb8;
	[tilespmem:$0x1C400] =	vst v63  }
0x81: {  	s22 =	simm.s32 $0xA800  }
0x82: {  	[hbm4b:s7+s2] =	stream.indirect_vreg.scatter [tilespmem:s22], [sflag:$0x2], $0x80, v7, vm1, $0xb8;
	[tilespmem:$0x1C400] =	vst v63  }
0x83: {  	v7 =	vld [tilespmem:$0x30];
	_ =	sdelay $0x4  }
0x84: {  	v8 =	vshrl.u32 v7, $0x3  }
0x85: {  	v8 =	vmul.u32 $0x38, v8  }
0x86: {  	v7 =	vand.u32 $0x7, v7  }
0x87: {  	v7 =	vor.u32 v7, v8  }
0x88: {  	v8 =	vperm.xlane v7, v4;
	_ =	sdelay $0x1  }
0x89: {  	v8 =	vadd.s32 v5, v8;
	_ =	sdelay $0x4  }
0x8a: {  	[hbm4b:s3+s2] =	stream.indirect_vreg.scatter [tilespmem:s20], [sflag:$0x2], $0x80, v8, vm0, $0xb8;
	[tilespmem:$0x1C400] =	vst v63  }
0x8b: {  	s23 =	simm.s32 $0xB400;
	v7 =	vperm.xlane v7, v6  }
0x8c: {  	[hbm4b:s5+s2] =	stream.indirect_vreg.scatter [tilespmem:s23], [sflag:$0x2], $0x80, v8, vm0, $0xb8;
	[tilespmem:$0x1C400] =	vst v63  }
0x8d: {  	s22 =	simm.s32 $0xBC00;
	v7 =	vadd.s32 v5, v7  }
0x8e: {  	[hbm4b:s6+s2] =	stream.indirect_vreg.scatter [tilespmem:s22], [sflag:$0x2], $0x80, v8, vm0, $0xb8;
	[tilespmem:$0x1C400] =	vst v63  }
0x8f: {  	s23 =	simm.s32 $0xC400  }
0x90: {  	[hbm4b:s7+s2] =	stream.indirect_vreg.scatter [tilespmem:s23], [sflag:$0x2], $0x80, v8, vm1, $0xb8;
	[tilespmem:$0x1C400] =	vst v63  }
0x91: {  	_ = 	snop  }
0x92: {  	[hbm4b:s3+s2] =	stream.indirect_vreg.scatter [tilespmem:s25], [sflag:$0x2], $0x80, v7, vm0, $0xb8;
	[tilespmem:$0x1C400] =	vst v63  }
0x93: {  	s22 =	simm.s32 $0xD000  }
0x94: {  	[hbm4b:s5+s2] =	stream.indirect_vreg.scatter [tilespmem:s22], [sflag:$0x2], $0x80, v7, vm0, $0xb8;
	[tilespmem:$0x1C400] =	vst v63  }
0x95: {  	s23 =	simm.s32 $0xD800  }
0x96: {  	[hbm4b:s6+s2] =	stream.indirect_vreg.scatter [tilespmem:s23], [sflag:$0x2], $0x80, v7, vm0, $0xb8;
	[tilespmem:$0x1C400] =	vst v63  }
0x97: {  	s22 =	simm.s32 $0xE000  }
0x98: {  	[hbm4b:s7+s2] =	stream.indirect_vreg.scatter [tilespmem:s22], [sflag:$0x2], $0x80, v7, vm1, $0xb8;
	[tilespmem:$0x1C400] =	vst v63  }
0x99: {  	_ = 	snop  }
0x9a: {  	[tilespmem:s24], [sflag:$0x1] =	stream.linear.gather [hbm4b:s8+s2], $0x1800, $0x38;
	[tilespmem:$0x1C400] =	vst v63  }
0x9b: {  	s0 =	simm.s32 $0x10000;
	s23 =	sadd.s32 $0x300, s8  }
0x9c: {  	[tilespmem:s0], [sflag:$0x1] =	stream.linear.gather [hbm4b:s23+s2], $0x1800, $0x38;
	[tilespmem:$0x1C400] =	vst v63  }
0x9d: {  	s23 =	sadd.s32 $0x600, s8  }
0x9e: {  	[tilespmem:s4], [sflag:$0x1] =	stream.linear.gather [hbm4b:s23+s2], $0x1800, $0x38;
	[tilespmem:$0x1C400] =	vst v63  }
0x9f: {  	s23 =	sadd.s32 $0x900, s8  }
0xa0: {  	[tilespmem:s12], [sflag:$0x1] =	stream.linear.gather [hbm4b:s23+s2], $0x1800, $0x38;
	[tilespmem:$0x1C400] =	vst v63  }
0xa1: {  	s23 =	sadd.s32 $0xC00, s8  }
0xa2: {  	[tilespmem:s14], [sflag:$0x1] =	stream.linear.gather [hbm4b:s23+s2], $0x1800, $0x38;
	[tilespmem:$0x1C400] =	vst v63  }
0xa3: {  	s23 =	sadd.s32 $0xF00, s8  }
0xa4: {  	[tilespmem:s26], [sflag:$0x1] =	stream.linear.gather [hbm4b:s23+s2], $0x1800, $0x38;
	[tilespmem:$0x1C400] =	vst v63  }
0xa5: {  	s22 =	sadd.s32 $0x1200, s8;
	s23 =	simm.s32 $0x18C00  }
0xa6: {  	[tilespmem:s23], [sflag:$0x1] =	stream.linear.gather [hbm4b:s22+s2], $0x1800, $0x38;
	[tilespmem:$0x1C400] =	vst v63  }
0xa7: {  	s22 =	sadd.s32 $0x1500, s8  }
0xa8: {  	[tilespmem:s28], [sflag:$0x1] =	stream.linear.gather [hbm4b:s22+s2], $0x1800, $0x38;
	[tilespmem:$0x1C400] =	vst v63  }
0xa9: {  	_ =	swait.ge [sflag:s21], $0xC000  }
0xaa: {  	[sflag:s21] =	ssyncset.done $0x0  }
0xab: {  	[sflag:s21] =	ssyncadd.s32 $0xFFFF4000  }
0xac: {  	v7 =	vld [tilespmem:$0x280];
	_ =	sdelay $0x4  }
0xad: {  	[tilespmem:v0+s24+$0x0] =	vst.idx.msk $0xffff, v7  }
0xae: {  	v7 =	vld [tilespmem:$0x290];
	_ =	sdelay $0x4  }
0xaf: {  	[tilespmem:v1+s24+$0x0] =	vst.idx.msk $0xffff, v7  }
0xb0: {  	v7 =	vld [tilespmem:$0x2A0];
	_ =	sdelay $0x4  }
0xb1: {  	[tilespmem:v2+s24+$0x0] =	vst.idx.msk $0xffff, v7  }
0xb2: {  	v7 =	vld [tilespmem:$0x2B0];
	_ =	sdelay $0x4  }
0xb3: {  	[tilespmem:v3+s24+$0x0] =	vst.idx.msk $0xffff, v7  }
0xb4: {  	v7 =	vld [tilespmem:$0x80];
	_ =	sdelay $0x4  }
0xb5: {  	v8 =	vshrl.u32 v7, $0x3  }
0xb6: {  	v8 =	vmul.u32 $0x38, v8  }
0xb7: {  	v7 =	vand.u32 $0x7, v7  }
0xb8: {  	v7 =	vor.u32 v7, v8  }
0xb9: {  	v8 =	vperm.xlane v7, v4;
	_ =	sdelay $0x1  }
0xba: {  	v8 =	vadd.s32 v5, v8;
	_ =	sdelay $0x4  }
0xbb: {  	[hbm4b:s3+s2] =	stream.indirect_vreg.scatter [tilespmem:s24], [sflag:$0x2], $0x80, v8, vm0, $0xb8;
	[tilespmem:$0x1C400] =	vst v63  }
0xbc: {  	s22 =	simm.s32 $0xEC00;
	v7 =	vperm.xlane v7, v6  }
0xbd: {  	[hbm4b:s5+s2] =	stream.indirect_vreg.scatter [tilespmem:s22], [sflag:$0x2], $0x80, v8, vm0, $0xb8;
	[tilespmem:$0x1C400] =	vst v63  }
0xbe: {  	v7 =	vadd.s32 v5, v7;
	s22 =	simm.s32 $0xF400  }
0xbf: {  	[hbm4b:s6+s2] =	stream.indirect_vreg.scatter [tilespmem:s22], [sflag:$0x2], $0x80, v8, vm0, $0xb8;
	[tilespmem:$0x1C400] =	vst v63  }
0xc0: {  	s22 =	simm.s32 $0xFC00  }
0xc1: {  	[hbm4b:s7+s2] =	stream.indirect_vreg.scatter [tilespmem:s22], [sflag:$0x2], $0x80, v8, vm1, $0xb8;
	[tilespmem:$0x1C400] =	vst v63  }
0xc2: {  	_ = 	snop  }
0xc3: {  	[hbm4b:s3+s2] =	stream.indirect_vreg.scatter [tilespmem:s0], [sflag:$0x2], $0x80, v7, vm0, $0xb8;
	[tilespmem:$0x1C400] =	vst v63  }
0xc4: {  	s22 =	simm.s32 $0x10800  }
0xc5: {  	[hbm4b:s5+s2] =	stream.indirect_vreg.scatter [tilespmem:s22], [sflag:$0x2], $0x80, v7, vm0, $0xb8;
	[tilespmem:$0x1C400] =	vst v63  }
0xc6: {  	s22 =	simm.s32 $0x11000  }
0xc7: {  	[hbm4b:s6+s2] =	stream.indirect_vreg.scatter [tilespmem:s22], [sflag:$0x2], $0x80, v7, vm0, $0xb8;
	[tilespmem:$0x1C400] =	vst v63  }
0xc8: {  	s22 =	simm.s32 $0x11800  }
0xc9: {  	[hbm4b:s7+s2] =	stream.indirect_vreg.scatter [tilespmem:s22], [sflag:$0x2], $0x80, v7, vm1, $0xb8;
	[tilespmem:$0x1C400] =	vst v63  }
0xca: {  	v7 =	vld [tilespmem:$0x90];
	_ =	sdelay $0x4  }
0xcb: {  	v8 =	vshrl.u32 v7, $0x3  }
0xcc: {  	v8 =	vmul.u32 $0x38, v8  }
0xcd: {  	v7 =	vand.u32 $0x7, v7  }
0xce: {  	v7 =	vor.u32 v7, v8  }
0xcf: {  	v8 =	vperm.xlane v7, v4;
	_ =	sdelay $0x1  }
0xd0: {  	v8 =	vadd.s32 v5, v8;
	_ =	sdelay $0x4  }
0xd1: {  	[hbm4b:s3+s2] =	stream.indirect_vreg.scatter [tilespmem:s4], [sflag:$0x2], $0x80, v8, vm0, $0xb8;
	[tilespmem:$0x1C400] =	vst v63  }
0xd2: {  	s22 =	simm.s32 $0x12400;
	v7 =	vperm.xlane v7, v6  }
0xd3: {  	[hbm4b:s5+s2] =	stream.indirect_vreg.scatter [tilespmem:s22], [sflag:$0x2], $0x80, v8, vm0, $0xb8;
	[tilespmem:$0x1C400] =	vst v63  }
0xd4: {  	v7 =	vadd.s32 v5, v7;
	s22 =	simm.s32 $0x12C00  }
0xd5: {  	[hbm4b:s6+s2] =	stream.indirect_vreg.scatter [tilespmem:s22], [sflag:$0x2], $0x80, v8, vm0, $0xb8;
	[tilespmem:$0x1C400] =	vst v63  }
0xd6: {  	s22 =	simm.s32 $0x13400  }
0xd7: {  	[hbm4b:s7+s2] =	stream.indirect_vreg.scatter [tilespmem:s22], [sflag:$0x2], $0x80, v8, vm1, $0xb8;
	[tilespmem:$0x1C400] =	vst v63  }
0xd8: {  	_ = 	snop  }
0xd9: {  	[hbm4b:s3+s2] =	stream.indirect_vreg.scatter [tilespmem:s12], [sflag:$0x2], $0x80, v7, vm0, $0xb8;
	[tilespmem:$0x1C400] =	vst v63  }
0xda: {  	s22 =	simm.s32 $0x14000  }
0xdb: {  	[hbm4b:s5+s2] =	stream.indirect_vreg.scatter [tilespmem:s22], [sflag:$0x2], $0x80, v7, vm0, $0xb8;
	[tilespmem:$0x1C400] =	vst v63  }
0xdc: {  	s22 =	simm.s32 $0x14800  }
0xdd: {  	[hbm4b:s6+s2] =	stream.indirect_vreg.scatter [tilespmem:s22], [sflag:$0x2], $0x80, v7, vm0, $0xb8;
	[tilespmem:$0x1C400] =	vst v63  }
0xde: {  	s22 =	simm.s32 $0x15000  }
0xdf: {  	[hbm4b:s7+s2] =	stream.indirect_vreg.scatter [tilespmem:s22], [sflag:$0x2], $0x80, v7, vm1, $0xb8;
	[tilespmem:$0x1C400] =	vst v63  }
0xe0: {  	v7 =	vld [tilespmem:$0xA0];
	_ =	sdelay $0x4  }
0xe1: {  	v8 =	vshrl.u32 v7, $0x3  }
0xe2: {  	v8 =	vmul.u32 $0x38, v8  }
0xe3: {  	v7 =	vand.u32 $0x7, v7  }
0xe4: {  	v7 =	vor.u32 v7, v8  }
0xe5: {  	v8 =	vperm.xlane v7, v4;
	_ =	sdelay $0x1  }
0xe6: {  	v8 =	vadd.s32 v5, v8;
	_ =	sdelay $0x4  }
0xe7: {  	[hbm4b:s3+s2] =	stream.indirect_vreg.scatter [tilespmem:s14], [sflag:$0x2], $0x80, v8, vm0, $0xb8;
	[tilespmem:$0x1C400] =	vst v63  }
0xe8: {  	s22 =	simm.s32 $0x15C00;
	v7 =	vperm.xlane v7, v6  }
0xe9: {  	[hbm4b:s5+s2] =	stream.indirect_vreg.scatter [tilespmem:s22], [sflag:$0x2], $0x80, v8, vm0, $0xb8;
	[tilespmem:$0x1C400] =	vst v63  }
0xea: {  	v7 =	vadd.s32 v5, v7;
	s22 =	simm.s32 $0x16400  }
0xeb: {  	[hbm4b:s6+s2] =	stream.indirect_vreg.scatter [tilespmem:s22], [sflag:$0x2], $0x80, v8, vm0, $0xb8;
	[tilespmem:$0x1C400] =	vst v63  }
0xec: {  	s22 =	simm.s32 $0x16C00  }
0xed: {  	[hbm4b:s7+s2] =	stream.indirect_vreg.scatter [tilespmem:s22], [sflag:$0x2], $0x80, v8, vm1, $0xb8;
	[tilespmem:$0x1C400] =	vst v63  }
0xee: {  	_ = 	snop  }
0xef: {  	[hbm4b:s3+s2] =	stream.indirect_vreg.scatter [tilespmem:s26], [sflag:$0x2], $0x80, v7, vm0, $0xb8;
	[tilespmem:$0x1C400] =	vst v63  }
0xf0: {  	s22 =	simm.s32 $0x17800  }
0xf1: {  	[hbm4b:s5+s2] =	stream.indirect_vreg.scatter [tilespmem:s22], [sflag:$0x2], $0x80, v7, vm0, $0xb8;
	[tilespmem:$0x1C400] =	vst v63  }
0xf2: {  	s22 =	simm.s32 $0x18000  }
0xf3: {  	[hbm4b:s6+s2] =	stream.indirect_vreg.scatter [tilespmem:s22], [sflag:$0x2], $0x80, v7, vm0, $0xb8;
	[tilespmem:$0x1C400] =	vst v63  }
0xf4: {  	s22 =	simm.s32 $0x18800  }
0xf5: {  	[hbm4b:s7+s2] =	stream.indirect_vreg.scatter [tilespmem:s22], [sflag:$0x2], $0x80, v7, vm1, $0xb8;
	[tilespmem:$0x1C400] =	vst v63  }
0xf6: {  	v7 =	vld [tilespmem:$0xB0];
	_ =	sdelay $0x4  }
0xf7: {  	v8 =	vshrl.u32 v7, $0x3  }
0xf8: {  	v8 =	vmul.u32 $0x38, v8  }
0xf9: {  	v7 =	vand.u32 $0x7, v7  }
0xfa: {  	v7 =	vor.u32 v7, v8  }
0xfb: {  	v8 =	vperm.xlane v7, v4;
	_ =	sdelay $0x1  }
0xfc: {  	v8 =	vadd.s32 v5, v8;
	_ =	sdelay $0x4  }
0xfd: {  	[hbm4b:s3+s2] =	stream.indirect_vreg.scatter [tilespmem:s23], [sflag:$0x2], $0x80, v8, vm0, $0xb8;
	[tilespmem:$0x1C400] =	vst v63  }
0xfe: {  	s22 =	simm.s32 $0x19400;
	v7 =	vperm.xlane v7, v6  }
0xff: {  	[hbm4b:s5+s2] =	stream.indirect_vreg.scatter [tilespmem:s22], [sflag:$0x2], $0x80, v8, vm0, $0xb8;
	[tilespmem:$0x1C400] =	vst v63  }
0x100: {  	v7 =	vadd.s32 v5, v7;
	s22 =	simm.s32 $0x19C00  }
0x101: {  	[hbm4b:s6+s2] =	stream.indirect_vreg.scatter [tilespmem:s22], [sflag:$0x2], $0x80, v8, vm0, $0xb8;
	[tilespmem:$0x1C400] =	vst v63  }
0x102: {  	s22 =	simm.s32 $0x1A400  }
0x103: {  	[hbm4b:s7+s2] =	stream.indirect_vreg.scatter [tilespmem:s22], [sflag:$0x2], $0x80, v8, vm1, $0xb8;
	[tilespmem:$0x1C400] =	vst v63  }
0x104: {  	_ = 	snop  }
0x105: {  	[hbm4b:s3+s2] =	stream.indirect_vreg.scatter [tilespmem:s28], [sflag:$0x2], $0x80, v7, vm0, $0xb8;
	[tilespmem:$0x1C400] =	vst v63  }
0x106: {  	s22 =	simm.s32 $0x1B000  }
0x107: {  	[hbm4b:s5+s2] =	stream.indirect_vreg.scatter [tilespmem:s22], [sflag:$0x2], $0x80, v7, vm0, $0xb8;
	[tilespmem:$0x1C400] =	vst v63  }
0x108: {  	s22 =	simm.s32 $0x1B800  }
0x109: {  	[hbm4b:s6+s2] =	stream.indirect_vreg.scatter [tilespmem:s22], [sflag:$0x2], $0x80, v7, vm0, $0xb8;
	[tilespmem:$0x1C400] =	vst v63  }
0x10a: {  	s22 =	simm.s32 $0x1C000  }
0x10b: {  	[hbm4b:s7+s2] =	stream.indirect_vreg.scatter [tilespmem:s22], [sflag:$0x2], $0x80, v7, vm1, $0xb8;
	[tilespmem:$0x1C400] =	vst v63  }
0x10c: {  	_ =	swait.ge [sflag:s1], $0xE000  }
0x10d: {  	[sflag:s1] =	ssyncset.done $0x0  }
0x10e: {  	[sflag:s1] =	ssyncadd.s32 $0xFFFF2000  }
0x10f: {  	[tilespmem:s13], [sflag:$0x1] =	stream.linear.gather [hbm4b:s9+s2], $0x1800, $0x38;
	[tilespmem:$0x1C400] =	vst v63  }
0x110: {  	s22 =	sadd.s32 $0x300, s9  }
0x111: {  	[tilespmem:s15], [sflag:$0x1] =	stream.linear.gather [hbm4b:s22+s2], $0x1800, $0x38;
	[tilespmem:$0x1C400] =	vst v63  }
0x112: {  	s22 =	sadd.s32 $0x600, s9  }
0x113: {  	[tilespmem:s16], [sflag:$0x1] =	stream.linear.gather [hbm4b:s22+s2], $0x1800, $0x38;
	[tilespmem:$0x1C400] =	vst v63  }
0x114: {  	s22 =	sadd.s32 $0x900, s9  }
0x115: {  	[tilespmem:s17], [sflag:$0x1] =	stream.linear.gather [hbm4b:s22+s2], $0x1800, $0x38;
	[tilespmem:$0x1C400] =	vst v63  }
0x116: {  	s22 =	sadd.s32 $0xC00, s9  }
0x117: {  	[tilespmem:s18], [sflag:$0x1] =	stream.linear.gather [hbm4b:s22+s2], $0x1800, $0x38;
	[tilespmem:$0x1C400] =	vst v63  }
0x118: {  	s22 =	sadd.s32 $0xF00, s9  }
0x119: {  	[tilespmem:s19], [sflag:$0x1] =	stream.linear.gather [hbm4b:s22+s2], $0x1800, $0x38;
	[tilespmem:$0x1C400] =	vst v63  }
0x11a: {  	s22 =	sadd.s32 $0x1200, s9  }
0x11b: {  	[tilespmem:s20], [sflag:$0x1] =	stream.linear.gather [hbm4b:s22+s2], $0x1800, $0x38;
	[tilespmem:$0x1C400] =	vst v63  }
0x11c: {  	s22 =	sadd.s32 $0x1500, s9  }
0x11d: {  	[tilespmem:s25], [sflag:$0x1] =	stream.linear.gather [hbm4b:s22+s2], $0x1800, $0x38;
	[tilespmem:$0x1C400] =	vst v63  }
0x11e: {  	_ =	swait.ge [sflag:s21], $0xC000  }
0x11f: {  	[sflag:s21] =	ssyncset.done $0x0  }
0x120: {  	[sflag:s21] =	ssyncadd.s32 $0xFFFF4000  }
0x121: {  	v7 =	vld [tilespmem:$0x300];
	_ =	sdelay $0x4  }
0x122: {  	[tilespmem:v0+s13+$0x0] =	vst.idx.msk $0xffff, v7  }
0x123: {  	v7 =	vld [tilespmem:$0x310];
	_ =	sdelay $0x4  }
0x124: {  	[tilespmem:v1+s13+$0x0] =	vst.idx.msk $0xffff, v7  }
0x125: {  	v7 =	vld [tilespmem:$0x320];
	_ =	sdelay $0x4  }
0x126: {  	[tilespmem:v2+s13+$0x0] =	vst.idx.msk $0xffff, v7  }
0x127: {  	v7 =	vld [tilespmem:$0x330];
	_ =	sdelay $0x4  }
0x128: {  	[tilespmem:v3+s13+$0x0] =	vst.idx.msk $0xffff, v7  }
0x129: {  	v7 =	vld [tilespmem:$0x100];
	_ =	sdelay $0x4  }
0x12a: {  	v8 =	vshrl.u32 v7, $0x3  }
0x12b: {  	v8 =	vmul.u32 $0x38, v8  }
0x12c: {  	v7 =	vand.u32 $0x7, v7  }
0x12d: {  	v7 =	vor.u32 v7, v8  }
0x12e: {  	v8 =	vperm.xlane v7, v4;
	_ =	sdelay $0x1  }
0x12f: {  	v8 =	vadd.s32 v5, v8;
	_ =	sdelay $0x4  }
0x130: {  	[hbm4b:s3+s2] =	stream.indirect_vreg.scatter [tilespmem:s13], [sflag:$0x2], $0x80, v8, vm0, $0xb8;
	[tilespmem:$0x1C400] =	vst v63  }
0x131: {  	s22 =	simm.s32 $0xC00;
	v7 =	vperm.xlane v7, v6  }
0x132: {  	[hbm4b:s5+s2] =	stream.indirect_vreg.scatter [tilespmem:s22], [sflag:$0x2], $0x80, v8, vm0, $0xb8;
	[tilespmem:$0x1C400] =	vst v63  }
0x133: {  	v7 =	vadd.s32 v5, v7;
	s22 =	simm.s32 $0x1400  }
0x134: {  	[hbm4b:s6+s2] =	stream.indirect_vreg.scatter [tilespmem:s22], [sflag:$0x2], $0x80, v8, vm0, $0xb8;
	[tilespmem:$0x1C400] =	vst v63  }
0x135: {  	s22 =	simm.s32 $0x1C00  }
0x136: {  	[hbm4b:s7+s2] =	stream.indirect_vreg.scatter [tilespmem:s22], [sflag:$0x2], $0x80, v8, vm1, $0xb8;
	[tilespmem:$0x1C400] =	vst v63  }
0x137: {  	_ = 	snop  }
0x138: {  	[hbm4b:s3+s2] =	stream.indirect_vreg.scatter [tilespmem:s15], [sflag:$0x2], $0x80, v7, vm0, $0xb8;
	[tilespmem:$0x1C400] =	vst v63  }
0x139: {  	s22 =	simm.s32 $0x2800  }
0x13a: {  	[hbm4b:s5+s2] =	stream.indirect_vreg.scatter [tilespmem:s22], [sflag:$0x2], $0x80, v7, vm0, $0xb8;
	[tilespmem:$0x1C400] =	vst v63  }
0x13b: {  	s22 =	simm.s32 $0x3000  }
0x13c: {  	[hbm4b:s6+s2] =	stream.indirect_vreg.scatter [tilespmem:s22], [sflag:$0x2], $0x80, v7, vm0, $0xb8;
	[tilespmem:$0x1C400] =	vst v63  }
0x13d: {  	_ = 	snop  }
0x13e: {  	[hbm4b:s7+s2] =	stream.indirect_vreg.scatter [tilespmem:s30], [sflag:$0x2], $0x80, v7, vm1, $0xb8;
	[tilespmem:$0x1C400] =	vst v63  }
0x13f: {  	v7 =	vld [tilespmem:$0x110];
	_ =	sdelay $0x4  }
0x140: {  	v8 =	vshrl.u32 v7, $0x3  }
0x141: {  	v8 =	vmul.u32 $0x38, v8  }
0x142: {  	v7 =	vand.u32 $0x7, v7  }
0x143: {  	v7 =	vor.u32 v7, v8  }
0x144: {  	v8 =	vperm.xlane v7, v4;
	_ =	sdelay $0x1  }
0x145: {  	v8 =	vadd.s32 v5, v8;
	_ =	sdelay $0x4  }
0x146: {  	[hbm4b:s3+s2] =	stream.indirect_vreg.scatter [tilespmem:s16], [sflag:$0x2], $0x80, v8, vm0, $0xb8;
	[tilespmem:$0x1C400] =	vst v63  }
0x147: {  	v7 =	vperm.xlane v7, v6  }
0x148: {  	[hbm4b:s5+s2] =	stream.indirect_vreg.scatter [tilespmem:s31], [sflag:$0x2], $0x80, v8, vm0, $0xb8;
	[tilespmem:$0x1C400] =	vst v63  }
0x149: {  	s22 =	simm.s32 $0x4C00;
	v7 =	vadd.s32 v5, v7  }
0x14a: {  	[hbm4b:s6+s2] =	stream.indirect_vreg.scatter [tilespmem:s22], [sflag:$0x2], $0x80, v8, vm0, $0xb8;
	[tilespmem:$0x1C400] =	vst v63  }
0x14b: {  	s22 =	simm.s32 $0x5400  }
0x14c: {  	[hbm4b:s7+s2] =	stream.indirect_vreg.scatter [tilespmem:s22], [sflag:$0x2], $0x80, v8, vm1, $0xb8;
	[tilespmem:$0x1C400] =	vst v63  }
0x14d: {  	_ = 	snop  }
0x14e: {  	[hbm4b:s3+s2] =	stream.indirect_vreg.scatter [tilespmem:s17], [sflag:$0x2], $0x80, v7, vm0, $0xb8;
	[tilespmem:$0x1C400] =	vst v63  }
0x14f: {  	s22 =	simm.s32 $0x6000  }
0x150: {  	[hbm4b:s5+s2] =	stream.indirect_vreg.scatter [tilespmem:s22], [sflag:$0x2], $0x80, v7, vm0, $0xb8;
	[tilespmem:$0x1C400] =	vst v63  }
0x151: {  	s22 =	simm.s32 $0x6800  }
0x152: {  	[hbm4b:s6+s2] =	stream.indirect_vreg.scatter [tilespmem:s22], [sflag:$0x2], $0x80, v7, vm0, $0xb8;
	[tilespmem:$0x1C400] =	vst v63  }
0x153: {  	s22 =	simm.s32 $0x7000  }
0x154: {  	[hbm4b:s7+s2] =	stream.indirect_vreg.scatter [tilespmem:s22], [sflag:$0x2], $0x80, v7, vm1, $0xb8;
	[tilespmem:$0x1C400] =	vst v63  }
0x155: {  	v7 =	vld [tilespmem:$0x120];
	_ =	sdelay $0x4  }
0x156: {  	v8 =	vshrl.u32 v7, $0x3  }
0x157: {  	v8 =	vmul.u32 $0x38, v8  }
0x158: {  	v7 =	vand.u32 $0x7, v7  }
0x159: {  	v7 =	vor.u32 v7, v8  }
0x15a: {  	v8 =	vperm.xlane v7, v4;
	_ =	sdelay $0x1  }
0x15b: {  	v8 =	vadd.s32 v5, v8;
	_ =	sdelay $0x4  }
0x15c: {  	[hbm4b:s3+s2] =	stream.indirect_vreg.scatter [tilespmem:s18], [sflag:$0x2], $0x80, v8, vm0, $0xb8;
	[tilespmem:$0x1C400] =	vst v63  }
0x15d: {  	s22 =	simm.s32 $0x7C00;
	v7 =	vperm.xlane v7, v6  }
0x15e: {  	[hbm4b:s5+s2] =	stream.indirect_vreg.scatter [tilespmem:s22], [sflag:$0x2], $0x80, v8, vm0, $0xb8;
	[tilespmem:$0x1C400] =	vst v63  }
0x15f: {  	v7 =	vadd.s32 v5, v7;
	s22 =	simm.s32 $0x8400  }
0x160: {  	[hbm4b:s6+s2] =	stream.indirect_vreg.scatter [tilespmem:s22], [sflag:$0x2], $0x80, v8, vm0, $0xb8;
	[tilespmem:$0x1C400] =	vst v63  }
0x161: {  	s22 =	simm.s32 $0x8C00  }
0x162: {  	[hbm4b:s7+s2] =	stream.indirect_vreg.scatter [tilespmem:s22], [sflag:$0x2], $0x80, v8, vm1, $0xb8;
	[tilespmem:$0x1C400] =	vst v63  }
0x163: {  	_ = 	snop  }
0x164: {  	[hbm4b:s3+s2] =	stream.indirect_vreg.scatter [tilespmem:s19], [sflag:$0x2], $0x80, v7, vm0, $0xb8;
	[tilespmem:$0x1C400] =	vst v63  }
0x165: {  	s22 =	simm.s32 $0x9800  }
0x166: {  	[hbm4b:s5+s2] =	stream.indirect_vreg.scatter [tilespmem:s22], [sflag:$0x2], $0x80, v7, vm0, $0xb8;
	[tilespmem:$0x1C400] =	vst v63  }
0x167: {  	s22 =	simm.s32 $0xA000  }
0x168: {  	[hbm4b:s6+s2] =	stream.indirect_vreg.scatter [tilespmem:s22], [sflag:$0x2], $0x80, v7, vm0, $0xb8;
	[tilespmem:$0x1C400] =	vst v63  }
0x169: {  	s22 =	simm.s32 $0xA800  }
0x16a: {  	[hbm4b:s7+s2] =	stream.indirect_vreg.scatter [tilespmem:s22], [sflag:$0x2], $0x80, v7, vm1, $0xb8;
	[tilespmem:$0x1C400] =	vst v63  }
0x16b: {  	v7 =	vld [tilespmem:$0x130];
	_ =	sdelay $0x4  }
0x16c: {  	v8 =	vshrl.u32 v7, $0x3  }
0x16d: {  	v8 =	vmul.u32 $0x38, v8  }
0x16e: {  	v7 =	vand.u32 $0x7, v7  }
0x16f: {  	v7 =	vor.u32 v7, v8  }
0x170: {  	v8 =	vperm.xlane v7, v4;
	_ =	sdelay $0x1  }
0x171: {  	v8 =	vadd.s32 v5, v8;
	_ =	sdelay $0x4  }
0x172: {  	[hbm4b:s3+s2] =	stream.indirect_vreg.scatter [tilespmem:s20], [sflag:$0x2], $0x80, v8, vm0, $0xb8;
	[tilespmem:$0x1C400] =	vst v63  }
0x173: {  	s22 =	simm.s32 $0xB400;
	v7 =	vperm.xlane v7, v6  }
0x174: {  	[hbm4b:s5+s2] =	stream.indirect_vreg.scatter [tilespmem:s22], [sflag:$0x2], $0x80, v8, vm0, $0xb8;
	[tilespmem:$0x1C400] =	vst v63  }
0x175: {  	v7 =	vadd.s32 v5, v7;
	s22 =	simm.s32 $0xBC00  }
0x176: {  	[hbm4b:s6+s2] =	stream.indirect_vreg.scatter [tilespmem:s22], [sflag:$0x2], $0x80, v8, vm0, $0xb8;
	[tilespmem:$0x1C400] =	vst v63  }
0x177: {  	s22 =	simm.s32 $0xC400  }
0x178: {  	[hbm4b:s7+s2] =	stream.indirect_vreg.scatter [tilespmem:s22], [sflag:$0x2], $0x80, v8, vm1, $0xb8;
	[tilespmem:$0x1C400] =	vst v63  }
0x179: {  	_ = 	snop  }
0x17a: {  	[hbm4b:s3+s2] =	stream.indirect_vreg.scatter [tilespmem:s25], [sflag:$0x2], $0x80, v7, vm0, $0xb8;
	[tilespmem:$0x1C400] =	vst v63  }
0x17b: {  	s22 =	simm.s32 $0xD000  }
0x17c: {  	[hbm4b:s5+s2] =	stream.indirect_vreg.scatter [tilespmem:s22], [sflag:$0x2], $0x80, v7, vm0, $0xb8;
	[tilespmem:$0x1C400] =	vst v63  }
0x17d: {  	s22 =	simm.s32 $0xD800  }
0x17e: {  	[hbm4b:s6+s2] =	stream.indirect_vreg.scatter [tilespmem:s22], [sflag:$0x2], $0x80, v7, vm0, $0xb8;
	[tilespmem:$0x1C400] =	vst v63  }
0x17f: {  	s22 =	simm.s32 $0xE000  }
0x180: {  	[hbm4b:s7+s2] =	stream.indirect_vreg.scatter [tilespmem:s22], [sflag:$0x2], $0x80, v7, vm1, $0xb8;
	[tilespmem:$0x1C400] =	vst v63  }
0x181: {  	_ =	swait.ge [sflag:s1], $0xE000  }
0x182: {  	[sflag:s1] =	ssyncset.done $0x0  }
0x183: {  	[sflag:s1] =	ssyncadd.s32 $0xFFFF2000  }
0x184: {  	[tilespmem:s24], [sflag:$0x1] =	stream.linear.gather [hbm4b:s10+s2], $0x1800, $0x38;
	[tilespmem:$0x1C400] =	vst v63  }
0x185: {  	s15 =	sadd.s32 $0x300, s10  }
0x186: {  	[tilespmem:s0], [sflag:$0x1] =	stream.linear.gather [hbm4b:s15+s2], $0x1800, $0x38;
	[tilespmem:$0x1C400] =	vst v63  }
0x187: {  	s15 =	sadd.s32 $0x600, s10  }
0x188: {  	[tilespmem:s4], [sflag:$0x1] =	stream.linear.gather [hbm4b:s15+s2], $0x1800, $0x38;
	[tilespmem:$0x1C400] =	vst v63  }
0x189: {  	s15 =	sadd.s32 $0x900, s10  }
0x18a: {  	[tilespmem:s12], [sflag:$0x1] =	stream.linear.gather [hbm4b:s15+s2], $0x1800, $0x38;
	[tilespmem:$0x1C400] =	vst v63  }
0x18b: {  	s15 =	sadd.s32 $0xC00, s10  }
0x18c: {  	[tilespmem:s14], [sflag:$0x1] =	stream.linear.gather [hbm4b:s15+s2], $0x1800, $0x38;
	[tilespmem:$0x1C400] =	vst v63  }
0x18d: {  	s15 =	sadd.s32 $0xF00, s10  }
0x18e: {  	[tilespmem:s26], [sflag:$0x1] =	stream.linear.gather [hbm4b:s15+s2], $0x1800, $0x38;
	[tilespmem:$0x1C400] =	vst v63  }
0x18f: {  	s15 =	sadd.s32 $0x1200, s10  }
0x190: {  	[tilespmem:s23], [sflag:$0x1] =	stream.linear.gather [hbm4b:s15+s2], $0x1800, $0x38;
	[tilespmem:$0x1C400] =	vst v63  }
0x191: {  	s15 =	sadd.s32 $0x1500, s10  }
0x192: {  	[tilespmem:s28], [sflag:$0x1] =	stream.linear.gather [hbm4b:s15+s2], $0x1800, $0x38;
	[tilespmem:$0x1C400] =	vst v63  }
0x193: {  	_ =	swait.ge [sflag:s21], $0xC000  }
0x194: {  	[sflag:s21] =	ssyncset.done $0x0  }
0x195: {  	[sflag:s21] =	ssyncadd.s32 $0xFFFF4000  }
0x196: {  	v7 =	vld [tilespmem:$0x380];
	_ =	sdelay $0x4  }
0x197: {  	[tilespmem:v0+s24+$0x0] =	vst.idx.msk $0xffff, v7  }
0x198: {  	v7 =	vld [tilespmem:$0x390];
	_ =	sdelay $0x4  }
0x199: {  	[tilespmem:v1+s24+$0x0] =	vst.idx.msk $0xffff, v7  }
0x19a: {  	v7 =	vld [tilespmem:$0x3A0];
	_ =	sdelay $0x4  }
0x19b: {  	[tilespmem:v2+s24+$0x0] =	vst.idx.msk $0xffff, v7  }
0x19c: {  	v7 =	vld [tilespmem:$0x3B0];
	_ =	sdelay $0x4  }
0x19d: {  	[tilespmem:v3+s24+$0x0] =	vst.idx.msk $0xffff, v7  }
0x19e: {  	v7 =	vld [tilespmem:$0x180];
	_ =	sdelay $0x4  }
0x19f: {  	v8 =	vshrl.u32 v7, $0x3  }
0x1a0: {  	v8 =	vmul.u32 $0x38, v8  }
0x1a1: {  	v7 =	vand.u32 $0x7, v7  }
0x1a2: {  	v7 =	vor.u32 v7, v8  }
0x1a3: {  	v8 =	vperm.xlane v7, v4;
	_ =	sdelay $0x1  }
0x1a4: {  	v8 =	vadd.s32 v5, v8;
	_ =	sdelay $0x4  }
0x1a5: {  	[hbm4b:s3+s2] =	stream.indirect_vreg.scatter [tilespmem:s24], [sflag:$0x2], $0x80, v8, vm0, $0xb8;
	[tilespmem:$0x1C400] =	vst v63  }
0x1a6: {  	s22 =	simm.s32 $0xEC00;
	v7 =	vperm.xlane v7, v6  }
0x1a7: {  	[hbm4b:s5+s2] =	stream.indirect_vreg.scatter [tilespmem:s22], [sflag:$0x2], $0x80, v8, vm0, $0xb8;
	[tilespmem:$0x1C400] =	vst v63  }
0x1a8: {  	v7 =	vadd.s32 v5, v7;
	s22 =	simm.s32 $0xF400  }
0x1a9: {  	[hbm4b:s6+s2] =	stream.indirect_vreg.scatter [tilespmem:s22], [sflag:$0x2], $0x80, v8, vm0, $0xb8;
	[tilespmem:$0x1C400] =	vst v63  }
0x1aa: {  	s22 =	simm.s32 $0xFC00  }
0x1ab: {  	[hbm4b:s7+s2] =	stream.indirect_vreg.scatter [tilespmem:s22], [sflag:$0x2], $0x80, v8, vm1, $0xb8;
	[tilespmem:$0x1C400] =	vst v63  }
0x1ac: {  	_ = 	snop  }
0x1ad: {  	[hbm4b:s3+s2] =	stream.indirect_vreg.scatter [tilespmem:s0], [sflag:$0x2], $0x80, v7, vm0, $0xb8;
	[tilespmem:$0x1C400] =	vst v63  }
0x1ae: {  	s22 =	simm.s32 $0x10800  }
0x1af: {  	[hbm4b:s5+s2] =	stream.indirect_vreg.scatter [tilespmem:s22], [sflag:$0x2], $0x80, v7, vm0, $0xb8;
	[tilespmem:$0x1C400] =	vst v63  }
0x1b0: {  	s15 =	simm.s32 $0x11000  }
0x1b1: {  	[hbm4b:s6+s2] =	stream.indirect_vreg.scatter [tilespmem:s15], [sflag:$0x2], $0x80, v7, vm0, $0xb8;
	[tilespmem:$0x1C400] =	vst v63  }
0x1b2: {  	s22 =	simm.s32 $0x11800  }
0x1b3: {  	[hbm4b:s7+s2] =	stream.indirect_vreg.scatter [tilespmem:s22], [sflag:$0x2], $0x80, v7, vm1, $0xb8;
	[tilespmem:$0x1C400] =	vst v63  }
0x1b4: {  	v7 =	vld [tilespmem:$0x190];
	_ =	sdelay $0x4  }
0x1b5: {  	v8 =	vshrl.u32 v7, $0x3  }
0x1b6: {  	v8 =	vmul.u32 $0x38, v8  }
0x1b7: {  	v7 =	vand.u32 $0x7, v7  }
0x1b8: {  	v7 =	vor.u32 v7, v8  }
0x1b9: {  	v8 =	vperm.xlane v7, v4;
	_ =	sdelay $0x1  }
0x1ba: {  	v8 =	vadd.s32 v5, v8;
	_ =	sdelay $0x4  }
0x1bb: {  	[hbm4b:s3+s2] =	stream.indirect_vreg.scatter [tilespmem:s4], [sflag:$0x2], $0x80, v8, vm0, $0xb8;
	[tilespmem:$0x1C400] =	vst v63  }
0x1bc: {  	s15 =	simm.s32 $0x12400;
	v7 =	vperm.xlane v7, v6  }
0x1bd: {  	[hbm4b:s5+s2] =	stream.indirect_vreg.scatter [tilespmem:s15], [sflag:$0x2], $0x80, v8, vm0, $0xb8;
	[tilespmem:$0x1C400] =	vst v63  }
0x1be: {  	s22 =	simm.s32 $0x12C00;
	v7 =	vadd.s32 v5, v7  }
0x1bf: {  	[hbm4b:s6+s2] =	stream.indirect_vreg.scatter [tilespmem:s22], [sflag:$0x2], $0x80, v8, vm0, $0xb8;
	[tilespmem:$0x1C400] =	vst v63  }
0x1c0: {  	s15 =	simm.s32 $0x13400  }
0x1c1: {  	[hbm4b:s7+s2] =	stream.indirect_vreg.scatter [tilespmem:s15], [sflag:$0x2], $0x80, v8, vm1, $0xb8;
	[tilespmem:$0x1C400] =	vst v63  }
0x1c2: {  	_ = 	snop  }
0x1c3: {  	[hbm4b:s3+s2] =	stream.indirect_vreg.scatter [tilespmem:s12], [sflag:$0x2], $0x80, v7, vm0, $0xb8;
	[tilespmem:$0x1C400] =	vst v63  }
0x1c4: {  	s22 =	simm.s32 $0x14000  }
0x1c5: {  	[hbm4b:s5+s2] =	stream.indirect_vreg.scatter [tilespmem:s22], [sflag:$0x2], $0x80, v7, vm0, $0xb8;
	[tilespmem:$0x1C400] =	vst v63  }
0x1c6: {  	s15 =	simm.s32 $0x14800  }
0x1c7: {  	[hbm4b:s6+s2] =	stream.indirect_vreg.scatter [tilespmem:s15], [sflag:$0x2], $0x80, v7, vm0, $0xb8;
	[tilespmem:$0x1C400] =	vst v63  }
0x1c8: {  	s22 =	simm.s32 $0x15000  }
0x1c9: {  	[hbm4b:s7+s2] =	stream.indirect_vreg.scatter [tilespmem:s22], [sflag:$0x2], $0x80, v7, vm1, $0xb8;
	[tilespmem:$0x1C400] =	vst v63  }
0x1ca: {  	v7 =	vld [tilespmem:$0x1A0];
	_ =	sdelay $0x4  }
0x1cb: {  	v8 =	vshrl.u32 v7, $0x3  }
0x1cc: {  	v8 =	vmul.u32 $0x38, v8  }
0x1cd: {  	v7 =	vand.u32 $0x7, v7  }
0x1ce: {  	v7 =	vor.u32 v7, v8  }
0x1cf: {  	v8 =	vperm.xlane v7, v4;
	_ =	sdelay $0x1  }
0x1d0: {  	v8 =	vadd.s32 v5, v8;
	_ =	sdelay $0x4  }
0x1d1: {  	[hbm4b:s3+s2] =	stream.indirect_vreg.scatter [tilespmem:s14], [sflag:$0x2], $0x80, v8, vm0, $0xb8;
	[tilespmem:$0x1C400] =	vst v63  }
0x1d2: {  	s15 =	simm.s32 $0x15C00;
	v7 =	vperm.xlane v7, v6  }
0x1d3: {  	[hbm4b:s5+s2] =	stream.indirect_vreg.scatter [tilespmem:s15], [sflag:$0x2], $0x80, v8, vm0, $0xb8;
	[tilespmem:$0x1C400] =	vst v63  }
0x1d4: {  	s22 =	simm.s32 $0x16400;
	v7 =	vadd.s32 v5, v7  }
0x1d5: {  	[hbm4b:s6+s2] =	stream.indirect_vreg.scatter [tilespmem:s22], [sflag:$0x2], $0x80, v8, vm0, $0xb8;
	[tilespmem:$0x1C400] =	vst v63  }
0x1d6: {  	s15 =	simm.s32 $0x16C00  }
0x1d7: {  	[hbm4b:s7+s2] =	stream.indirect_vreg.scatter [tilespmem:s15], [sflag:$0x2], $0x80, v8, vm1, $0xb8;
	[tilespmem:$0x1C400] =	vst v63  }
0x1d8: {  	_ = 	snop  }
0x1d9: {  	[hbm4b:s3+s2] =	stream.indirect_vreg.scatter [tilespmem:s26], [sflag:$0x2], $0x80, v7, vm0, $0xb8;
	[tilespmem:$0x1C400] =	vst v63  }
0x1da: {  	s22 =	simm.s32 $0x17800  }
0x1db: {  	[hbm4b:s5+s2] =	stream.indirect_vreg.scatter [tilespmem:s22], [sflag:$0x2], $0x80, v7, vm0, $0xb8;
	[tilespmem:$0x1C400] =	vst v63  }
0x1dc: {  	s15 =	simm.s32 $0x18000  }
0x1dd: {  	[hbm4b:s6+s2] =	stream.indirect_vreg.scatter [tilespmem:s15], [sflag:$0x2], $0x80, v7, vm0, $0xb8;
	[tilespmem:$0x1C400] =	vst v63  }
0x1de: {  	s22 =	simm.s32 $0x18800  }
0x1df: {  	[hbm4b:s7+s2] =	stream.indirect_vreg.scatter [tilespmem:s22], [sflag:$0x2], $0x80, v7, vm1, $0xb8;
	[tilespmem:$0x1C400] =	vst v63  }
0x1e0: {  	v7 =	vld [tilespmem:$0x1B0];
	_ =	sdelay $0x4  }
0x1e1: {  	v8 =	vshrl.u32 v7, $0x3  }
0x1e2: {  	v8 =	vmul.u32 $0x38, v8  }
0x1e3: {  	v7 =	vand.u32 $0x7, v7  }
0x1e4: {  	v7 =	vor.u32 v7, v8  }
0x1e5: {  	v8 =	vperm.xlane v7, v4;
	_ =	sdelay $0x1  }
0x1e6: {  	v8 =	vadd.s32 v5, v8;
	_ =	sdelay $0x4  }
0x1e7: {  	[hbm4b:s3+s2] =	stream.indirect_vreg.scatter [tilespmem:s23], [sflag:$0x2], $0x80, v8, vm0, $0xb8;
	[tilespmem:$0x1C400] =	vst v63  }
0x1e8: {  	s15 =	simm.s32 $0x19400;
	v7 =	vperm.xlane v7, v6  }
0x1e9: {  	[hbm4b:s5+s2] =	stream.indirect_vreg.scatter [tilespmem:s15], [sflag:$0x2], $0x80, v8, vm0, $0xb8;
	[tilespmem:$0x1C400] =	vst v63  }
0x1ea: {  	s22 =	simm.s32 $0x19C00;
	v7 =	vadd.s32 v5, v7  }
0x1eb: {  	[hbm4b:s6+s2] =	stream.indirect_vreg.scatter [tilespmem:s22], [sflag:$0x2], $0x80, v8, vm0, $0xb8;
	[tilespmem:$0x1C400] =	vst v63  }
0x1ec: {  	s23 =	simm.s32 $0x1A400  }
0x1ed: {  	[hbm4b:s7+s2] =	stream.indirect_vreg.scatter [tilespmem:s23], [sflag:$0x2], $0x80, v8, vm1, $0xb8;
	[tilespmem:$0x1C400] =	vst v63  }
0x1ee: {  	_ = 	snop  }
0x1ef: {  	[hbm4b:s3+s2] =	stream.indirect_vreg.scatter [tilespmem:s28], [sflag:$0x2], $0x80, v7, vm0, $0xb8;
	[tilespmem:$0x1C400] =	vst v63  }
0x1f0: {  	s15 =	simm.s32 $0x1B000  }
0x1f1: {  	[hbm4b:s5+s2] =	stream.indirect_vreg.scatter [tilespmem:s15], [sflag:$0x2], $0x80, v7, vm0, $0xb8;
	[tilespmem:$0x1C400] =	vst v63  }
0x1f2: {  	s22 =	simm.s32 $0x1B800  }
0x1f3: {  	[hbm4b:s6+s2] =	stream.indirect_vreg.scatter [tilespmem:s22], [sflag:$0x2], $0x80, v7, vm0, $0xb8;
	[tilespmem:$0x1C400] =	vst v63  }
0x1f4: {  	s23 =	simm.s32 $0x1C000  }
0x1f5: {  	[hbm4b:s7+s2] =	stream.indirect_vreg.scatter [tilespmem:s23], [sflag:$0x2], $0x80, v7, vm1, $0xb8;
	[tilespmem:$0x1C400] =	vst v63  }
0x1f6: {  	p0 =	sne.s32 s11, $0x1;
	_ =	swait.ge [sflag:s1], $0xE000  }
.Ltmp0:
0x1f7: {  	[sflag:s1] =	ssyncset.done $0x0;
	(pc) =	sbr.rel @p0 .LBB2_1-.Ltmp0, $4  }
0x1f8: {  	[sflag:s1] =	ssyncadd.s32 $0xFFFF2000  }
0x1f9: {  	_ =	swait.ge [sflag:s1], $0xE000  }
0x1fa: {  	[sflag:s1] =	ssyncset.done $0x0  }
0x1fb: {  	s11 =	sadd.s32 $0xFFFFFFFF, s11;
	[sflag:s1] =	ssyncadd.s32 $0xFFFF2000  }
0x1fc: {  	_ =	sfence.sel $0x180000  }
0x1fd: {  	[bflag:$0x0] =	sbarrier.arrive $0xFFFF  }
0x1fe: {  	_ =	strace $0x90000047  }
0x1ff: {  	s0 =	stileid.u32;
	[bflag:$0x2] =	sbarrier.arrive $0xFFFF  }
0x200: {  	p0 =	sne.s32 s0, $0x0;
	s0 =	rddreg [dreg:$0x4]  }
0x201: {  	s0 =	sadd.s32 @!p0 $0x100000, s0  }
0x202: {  	[sflag:s0] =	ssyncadd.tile.s32 @!p0 $0x1;
	_ =	shalt  }
.Lfunc_end2:
_tile_overlayer_lowered:
.L_overlay_start_2:
0x203: {  	(tag) =	ssettag $0x2  }
0x204: {  	s0 =	rddreg [dreg:$0x0];
	s2 =	stileid.u32  }
0x205: {  	s1 =	rddreg [dreg:$0x1];
	p0 =	sne.s32 s2, $0x0  }
0x206: {  	s3 =	rddreg [dreg:$0x2];
	[bflag:$0x3] =	sbarrier.arrive $0xFFFF;
	s2 =	simm.s32 @!p0 $0x1C03  }
0x207: {  	[timem:s3], [sflag:s2] =	dma.local @!p0 [hbm:s0], s1  }
0x208: {  	s0 =	simm.s32 @!p0 $0x3  }
0x209: {  	_ =	swait.ge @!p0 [sflag:s0], s1  }
0x20a: {  	s1 =	ssub.s32 @!p0 $0x0, s1;
	[sflag:s0] =	ssyncset.done @!p0 $0x0  }
0x20b: {  	[sflag:s0] =	ssyncadd.s32 @!p0 s1  }
0x20c: {  	[bflag:$0x3] =	sbarrier.arrive $0xFFFF  }
0x20d: {  	_ =	shalt  }

</sc_bundles>
